<compile_context>
chip_gen: v7x
topology: tpu7x:2x2x1
jax: 0.10.2.dev20260603
libtpu: 0.0.44.dev20260713+nightly
codegen_flags: <defaults>
</compile_context>

<pallas_src>
import functools

import jax
import jax.numpy as jnp
from jax import lax
from jax.experimental import pallas as pl
from jax.experimental.pallas import tpu as pltpu
from jax.experimental.pallas import tpu_sc as plsc

N_NODES = 100000
N_EDGES = 3200000
NC = 2
NS = 16
NW = NC * NS
LANE = 16
N_PAD = 100352
SLICE = N_PAD // NS
VECS = SLICE // LANE
ROW = 128
CH = 100
E_ROWS = N_EDGES // ROW
N_CHUNKS = E_ROWS // CH

_mesh = lambda: plsc.VectorSubcoreMesh(core_axis_name="c", subcore_axis_name="s")


def _rsqrt(d):
    i = lax.bitcast_convert_type(d, jnp.int32)
    i = jnp.int32(0x5F3759DF) - (i >> 1)
    y = lax.bitcast_convert_type(i, jnp.float32)
    for _ in range(3):
        y = y * (1.5 - 0.5 * d * y * y)
    return y


def _n_my_chunks(wid):
    return (N_CHUNKS - 1 - wid) // NW + 1


@functools.partial(
    pl.kernel,
    mesh=_mesh(),
    out_type=jax.ShapeDtypeStruct((NC * N_PAD,), jnp.float32),
    scratch_types=[
        pltpu.VMEM((CH * ROW,), jnp.int32),
        pltpu.VMEM((CH * ROW,), jnp.float32),
        pltpu.VMEM((SLICE,), jnp.float32),
        pltpu.VMEM_SHARED((N_PAD,), jnp.float32),
    ],
)
def _deg_kernel(dst_hbm, ones_hbm, zeros_hbm, out_hbm, dst_v, ones_v, zbuf, acc):
    core = lax.axis_index("c")
    tid = lax.axis_index("s")
    wid = tid * NC + core
    off = tid * SLICE
    pltpu.sync_copy(zeros_hbm, zbuf)
    pltpu.sync_copy(zbuf, acc.at[pl.ds(off, SLICE)])
    pltpu.sync_copy(ones_hbm, ones_v)
    plsc.subcore_barrier()

    def ebody(i, carry):
        c = wid + i * NW
        pltpu.sync_copy(dst_hbm.at[pl.ds(c * CH * ROW, CH * ROW)], dst_v)
        pltpu.sync_copy(ones_v, acc.at[dst_v], add=True)
        return carry

    lax.fori_loop(0, _n_my_chunks(wid), ebody, 0)
    plsc.subcore_barrier()
    pltpu.sync_copy(acc.at[pl.ds(off, SLICE)], zbuf)
    pltpu.sync_copy(zbuf, out_hbm.at[pl.ds(core * N_PAD + off, SLICE)])


@functools.partial(
    pl.kernel,
    mesh=_mesh(),
    out_type=(
        jax.ShapeDtypeStruct((NC * N_PAD,), jnp.float32),
        jax.ShapeDtypeStruct((N_PAD,), jnp.float32),
    ),
    scratch_types=[
        pltpu.VMEM((CH * ROW,), jnp.int32),
        pltpu.VMEM((CH * ROW,), jnp.int32),
        pltpu.VMEM((CH * ROW,), jnp.float32),
        pltpu.VMEM((SLICE,), jnp.float32),
        pltpu.VMEM((SLICE,), jnp.float32),
        pltpu.VMEM((SLICE,), jnp.float32),
        pltpu.VMEM((SLICE,), jnp.float32),
        pltpu.VMEM((SLICE,), jnp.float32),
        pltpu.VMEM_SHARED((N_PAD,), jnp.float32),
        pltpu.VMEM_SHARED((N_PAD,), jnp.float32),
    ],
)
def _conv1_kernel(x_hbm, degp_hbm, src_hbm, dst_hbm, zeros_hbm,
                  g_hbm, dis_hbm,
                  src_v, dst_v, msg_v, a_v, b_v, x_v, dis_v, u_v, usp, acc):
    core = lax.axis_index("c")
    tid = lax.axis_index("s")
    wid = tid * NC + core
    off = tid * SLICE
    pltpu.sync_copy(zeros_hbm, u_v)
    pltpu.sync_copy(u_v, acc.at[pl.ds(off, SLICE)])
    pltpu.sync_copy(degp_hbm.at[pl.ds(off, SLICE)], a_v)
    pltpu.sync_copy(degp_hbm.at[pl.ds(N_PAD + off, SLICE)], b_v)
    pltpu.sync_copy(x_hbm.at[pl.ds(off, SLICE)], x_v)

    def nbody(k, carry):
        sl = pl.ds(k * LANE, LANE)
        d = a_v[sl] + b_v[sl] + 1.0
        y = _rsqrt(d)
        dis_v[sl] = y
        u_v[sl] = y * x_v[sl]
        return carry

    lax.fori_loop(0, VECS, nbody, 0)
    pltpu.sync_copy(u_v, usp.at[pl.ds(off, SLICE)])

    @pl.when(core == 0)
    def _():
        pltpu.sync_copy(dis_v, dis_hbm.at[pl.ds(off, SLICE)])

    plsc.subcore_barrier()

    def ebody(i, carry):
        c = wid + i * NW
        pltpu.sync_copy(src_hbm.at[pl.ds(c * CH * ROW, CH * ROW)], src_v)
        pltpu.sync_copy(dst_hbm.at[pl.ds(c * CH * ROW, CH * ROW)], dst_v)
        pltpu.sync_copy(usp.at[src_v], msg_v)
        pltpu.sync_copy(msg_v, acc.at[dst_v], add=True)
        return carry

    lax.fori_loop(0, _n_my_chunks(wid), ebody, 0)
    plsc.subcore_barrier()
    pltpu.sync_copy(acc.at[pl.ds(off, SLICE)], u_v)
    pltpu.sync_copy(u_v, g_hbm.at[pl.ds(core * N_PAD + off, SLICE)])


@functools.partial(
    pl.kernel,
    mesh=_mesh(),
    out_type=(
        jax.ShapeDtypeStruct((NC * N_PAD,), jnp.float32),
        jax.ShapeDtypeStruct((N_PAD,), jnp.float32),
    ),
    scratch_types=[
        pltpu.VMEM((CH * ROW,), jnp.int32),
        pltpu.VMEM((CH * ROW,), jnp.int32),
        pltpu.VMEM((CH * ROW,), jnp.float32),
        pltpu.VMEM((SLICE,), jnp.float32),
        pltpu.VMEM((SLICE,), jnp.float32),
        pltpu.VMEM((SLICE,), jnp.float32),
        pltpu.VMEM((SLICE,), jnp.float32),
        pltpu.VMEM((SLICE,), jnp.float32),
        pltpu.VMEM((LANE, LANE), jnp.float32),
        pltpu.VMEM((LANE, LANE), jnp.float32),
        pltpu.VMEM((LANE, LANE), jnp.float32),
        pltpu.VMEM_SHARED((N_PAD,), jnp.float32),
        pltpu.VMEM_SHARED((N_PAD,), jnp.float32),
    ],
)
def _conv2_kernel(x_hbm, dis_hbm, gp_hbm, src_hbm, dst_hbm, zeros_hbm,
                  w1_hbm, b1_hbm, w3_hbm,
                  g_hbm, w_hbm,
                  src_v, dst_v, msg_v, ga_v, gb_v, x_v, dis_v, w_v,
                  w1_v, b1_v, w3_v, wsp, acc):
    core = lax.axis_index("c")
    tid = lax.axis_index("s")
    wid = tid * NC + core
    off = tid * SLICE
    pltpu.sync_copy(zeros_hbm, w_v)
    pltpu.sync_copy(w_v, acc.at[pl.ds(off, SLICE)])
    pltpu.sync_copy(gp_hbm.at[pl.ds(off, SLICE)], ga_v)
    pltpu.sync_copy(gp_hbm.at[pl.ds(N_PAD + off, SLICE)], gb_v)
    pltpu.sync_copy(x_hbm.at[pl.ds(off, SLICE)], x_v)
    pltpu.sync_copy(dis_hbm.at[pl.ds(off, SLICE)], dis_v)
    pltpu.sync_copy(w1_hbm, w1_v)
    pltpu.sync_copy(b1_hbm, b1_v)
    pltpu.sync_copy(w3_hbm, w3_v)

    def nbody(k, carry):
        sl = pl.ds(k * LANE, LANE)
        y = dis_v[sl]
        s1 = y * (ga_v[sl] + gb_v[sl] + y * x_v[sl])
        h2 = jnp.zeros((LANE,), jnp.float32)
        for j in range(16):
            h2 = h2 + jnp.maximum(s1 * w1_v[j] + b1_v[j], 0.0) * w3_v[j]
        w_v[sl] = y * h2
        return carry

    lax.fori_loop(0, VECS, nbody, 0)
    pltpu.sync_copy(w_v, wsp.at[pl.ds(off, SLICE)])

    @pl.when(core == 0)
    def _():
        pltpu.sync_copy(w_v, w_hbm.at[pl.ds(off, SLICE)])

    plsc.subcore_barrier()

    def ebody(i, carry):
        c = wid + i * NW
        pltpu.sync_copy(src_hbm.at[pl.ds(c * CH * ROW, CH * ROW)], src_v)
        pltpu.sync_copy(dst_hbm.at[pl.ds(c * CH * ROW, CH * ROW)], dst_v)
        pltpu.sync_copy(wsp.at[src_v], msg_v)
        pltpu.sync_copy(msg_v, acc.at[dst_v], add=True)
        return carry

    lax.fori_loop(0, _n_my_chunks(wid), ebody, 0)
    plsc.subcore_barrier()
    pltpu.sync_copy(acc.at[pl.ds(off, SLICE)], w_v)
    pltpu.sync_copy(w_v, g_hbm.at[pl.ds(core * N_PAD + off, SLICE)])


def kernel(normalized_x, edge_index, W1, b1, W3, b3):
    x0 = normalized_x[:, 0]
    x0p = jnp.pad(x0, (0, N_PAD - N_NODES))
    src = edge_index[0]
    dst = edge_index[1]
    zeros = jnp.zeros((SLICE,), jnp.float32)
    ones = jnp.ones((CH * ROW,), jnp.float32)

    deg_p = _deg_kernel(dst, ones, zeros)
    g1_p, dis = _conv1_kernel(x0p, deg_p, src, dst, zeros)
    w1b = jnp.tile(W1.reshape(LANE, 1), (1, LANE))
    b1b = jnp.tile(b1.reshape(LANE, 1), (1, LANE))
    w3b = jnp.tile(W3.reshape(LANE, 1), (1, LANE))
    g2_p, wv = _conv2_kernel(x0p, dis, g1_p, src, dst, zeros, w1b, b1b, w3b)

    g2 = g2_p[:N_NODES] + g2_p[N_PAD:N_PAD + N_NODES]
    out = b3[0] + dis[:N_NODES] * (g2 + wv[:N_NODES])
    return out[:, None]

# --- scband reference (transcript-rebuilt; emitter-appended) ---
"""Pipeline reference for scband-gnn-basic-39908836114582 (READ-ONLY COPY).

The authoritative reference and input builder live on the scoring server;
editing this copy changes nothing except your own understanding.
"""

import jax, jax.numpy as jnp
import numpy as np

N_NODES = 100000
N_EDGES = 3200000


def _gcn_conv(x, edge_index, W, b):
    # Faithful GCNConv: add self-loops, symmetric normalization, linear, scatter-add aggregate
    n = x.shape[0]
    src = edge_index[0]
    dst = edge_index[1]
    loop = jnp.arange(n, dtype=src.dtype)
    src = jnp.concatenate([src, loop])
    dst = jnp.concatenate([dst, loop])
    deg = jnp.zeros((n,), dtype=x.dtype).at[dst].add(jnp.ones_like(dst, dtype=x.dtype))
    deg_inv_sqrt = jnp.where(deg > 0, jax.lax.rsqrt(jnp.maximum(deg, 1e-12)), 0.0)
    norm = deg_inv_sqrt[src] * deg_inv_sqrt[dst]
    h = x @ W
    msg = h[src] * norm[:, None]
    out = jnp.zeros((n, h.shape[1]), dtype=x.dtype).at[dst].add(msg)
    return out + b


def setup_inputs(seed: int = 0) -> dict:
    key = jax.random.key(seed)
    k1, k2, k3, k4, k5, k6 = jax.random.split(key, 6)
    normalized_x = jax.random.normal(k1, (N_NODES, 128), dtype=jnp.float32)
    edge_index = jax.random.randint(k2, (2, N_EDGES), 0, N_NODES, dtype=jnp.int32)
    # GCNConv(1, 16) and GCNConv(16, 1) parameters (glorot-style init)
    W1 = jax.random.normal(k3, (1, 16), dtype=jnp.float32) * (1.0 / np.sqrt(1.0))
    b1 = jnp.zeros((16,), dtype=jnp.float32)
    W3 = jax.random.normal(k4, (16, 1), dtype=jnp.float32) * (1.0 / np.sqrt(16.0))
    b3 = jnp.zeros((1,), dtype=jnp.float32)
    return {"normalized_x": normalized_x, "edge_index": edge_index, "W1": W1, "b1": b1, "W3": W3, "b3": b3}


def reference(normalized_x, edge_index, W1, b1, W3, b3):
    x = normalized_x[:, :1]  # x[:, [0]]
    x = _gcn_conv(x, edge_index, W1, b1)
    x = jax.nn.relu(x)
    # F.dropout(training=self.training): identity in eval mode
    x = _gcn_conv(x, edge_index, W3, b3)
    return x

if __name__ == "__main__":
    import jax
    _d = setup_inputs()
    print(jax.jit(kernel)(*tuple(_d.values())))

</pallas_src>

<mosaic_0001>
#map = affine_map<(d0, d1) -> (0)>
module attributes {stable_mosaic.version = 14 : i64} {
  func.func @_deg_kernel(%arg0: i32, %arg1: i32, %arg2: memref<3200000xi32, #tpu.memory_space<hbm>>, %arg3: memref<12800xf32, #tpu.memory_space<hbm>>, %arg4: memref<6272xf32, #tpu.memory_space<hbm>>, %arg5: memref<200704xf32, #tpu.memory_space<hbm>>, %arg6: memref<12800xi32, #tpu.memory_space<vmem>>, %arg7: memref<12800xf32, #tpu.memory_space<vmem>>, %arg8: memref<6272xf32, #tpu.memory_space<vmem>>, %arg9: memref<100352xf32, #tpu.memory_space<vmem_shared>>) attributes {dimension_semantics = [#tpu.dimension_semantics<core_parallel>, #tpu.dimension_semantics<subcore_parallel>], iteration_bounds = array<i64: 2, 16>, scalar_prefetch = 0 : i64, scratch_operands = 4 : i64, tpu.core_type = #tpu.core_type<sc_vector_subcore>, window_params = [{transform_indices = #map}, {transform_indices = #map}, {transform_indices = #map}, {transform_indices = #map}]} {
    %mul3A = arith.constant 2 : i32
    %mul3A_0 = arith.muli %arg1, %mul3A : i32
    %add3A = arith.addi %mul3A_0, %arg0 : i32
    %mul3A_1 = arith.constant 6272 : i32
    %mul3A_2 = arith.muli %arg1, %mul3A_1 : i32
    "tpu.region"() ({
      %run_scoped3A = tpu.sem_alloc : memref<!tpu.dma_semaphore, #tpu.memory_space<semaphore_mem>>
      tpu.enqueue_dma source(%arg4 : memref<6272xf32, #tpu.memory_space<hbm>>) target(%arg8 : memref<6272xf32, #tpu.memory_space<vmem>>) target_semaphore(%run_scoped3A : memref<!tpu.dma_semaphore, #tpu.memory_space<semaphore_mem>>)
      tpu.wait_dma2 semaphore(%run_scoped3A : memref<!tpu.dma_semaphore, #tpu.memory_space<semaphore_mem>>) src(%arg4 : memref<6272xf32, #tpu.memory_space<hbm>>) dst(%arg8 : memref<6272xf32, #tpu.memory_space<vmem>>)
      tpu.yield
    }) : () -> ()
    "tpu.region"() ({
      %run_scoped3A = tpu.sem_alloc : memref<!tpu.dma_semaphore, #tpu.memory_space<semaphore_mem>>
      %dma_start3A = tpu.memref_slice %arg9[%mul3A_2] : memref<100352xf32, #tpu.memory_space<vmem_shared>> -> memref<6272xf32, #tpu.memory_space<vmem_shared>>
      %dma_start3A_36 = tpu.memref_slice %arg9[%mul3A_2] : memref<100352xf32, #tpu.memory_space<vmem_shared>> -> memref<6272xf32, #tpu.memory_space<vmem_shared>>
      tpu.enqueue_dma source(%arg8 : memref<6272xf32, #tpu.memory_space<vmem>>) target(%dma_start3A_36 : memref<6272xf32, #tpu.memory_space<vmem_shared>>) target_semaphore(%run_scoped3A : memref<!tpu.dma_semaphore, #tpu.memory_space<semaphore_mem>>)
      %dma_wait3A = tpu.memref_slice %arg9[%mul3A_2] : memref<100352xf32, #tpu.memory_space<vmem_shared>> -> memref<6272xf32, #tpu.memory_space<vmem_shared>>
      %dma_wait3A_37 = tpu.memref_slice %arg9[%mul3A_2] : memref<100352xf32, #tpu.memory_space<vmem_shared>> -> memref<6272xf32, #tpu.memory_space<vmem_shared>>
      tpu.wait_dma2 semaphore(%run_scoped3A : memref<!tpu.dma_semaphore, #tpu.memory_space<semaphore_mem>>) src(%arg8 : memref<6272xf32, #tpu.memory_space<vmem>>) dst(%dma_wait3A_37 : memref<6272xf32, #tpu.memory_space<vmem_shared>>)
      tpu.yield
    }) : () -> ()
    "tpu.region"() ({
      %run_scoped3A = tpu.sem_alloc : memref<!tpu.dma_semaphore, #tpu.memory_space<semaphore_mem>>
      tpu.enqueue_dma source(%arg3 : memref<12800xf32, #tpu.memory_space<hbm>>) target(%arg7 : memref<12800xf32, #tpu.memory_space<vmem>>) target_semaphore(%run_scoped3A : memref<!tpu.dma_semaphore, #tpu.memory_space<semaphore_mem>>)
      tpu.wait_dma2 semaphore(%run_scoped3A : memref<!tpu.dma_semaphore, #tpu.memory_space<semaphore_mem>>) src(%arg3 : memref<12800xf32, #tpu.memory_space<hbm>>) dst(%arg7 : memref<12800xf32, #tpu.memory_space<vmem>>)
      tpu.yield
    }) : () -> ()
    %barrier3A = arith.constant 0 : index
    tpu.barrier barrier_id(%barrier3A)
    %sub3A = arith.constant 249 : i32
    %sub3A_3 = arith.subi %sub3A, %add3A : i32
    %jit3A = arith.constant 32 : i32
    %div3A = arith.divsi %sub3A_3, %jit3A : i32
    %sign3A = arith.constant 0 : i32
    %sign3A_4 = arith.cmpi sgt, %sub3A_3, %sign3A : i32
    %sign3A_5 = arith.extui %sign3A_4 : i1 to i32
    %sign3A_6 = arith.constant 0 : i32
    %sign3A_7 = arith.cmpi slt, %sub3A_3, %sign3A_6 : i32
    %sign3A_8 = arith.extui %sign3A_7 : i1 to i32
    %sign3A_9 = arith.subi %sign3A_5, %sign3A_8 : i32
    %sign3A_10 = arith.constant 0 : i32
    %sign3A_11 = arith.cmpi sgt, %jit3A, %sign3A_10 : i32
    %sign3A_12 = arith.extui %sign3A_11 : i1 to i32
    %sign3A_13 = arith.constant 0 : i32
    %sign3A_14 = arith.cmpi slt, %jit3A, %sign3A_13 : i32
    %sign3A_15 = arith.extui %sign3A_14 : i1 to i32
    %sign3A_16 = arith.subi %sign3A_12, %sign3A_15 : i32
    %ne3A = arith.cmpi ne, %sign3A_9, %sign3A_16 : i32
    %rem3A = arith.remsi %sub3A_3, %jit3A : i32
    %ne3A_17 = arith.constant 0 : i32
    %ne3A_18 = arith.cmpi ne, %rem3A, %ne3A_17 : i32
    %and3A = arith.andi %ne3A, %ne3A_18 : i1
    %sub3A_19 = arith.constant 1 : i32
    %sub3A_20 = arith.subi %div3A, %sub3A_19 : i32
    %select_n3A = arith.select %and3A, %sub3A_20, %div3A : i32
    %add3A_21 = arith.constant 1 : i32
    %add3A_22 = arith.addi %select_n3A, %add3A_21 : i32
    %while3A = arith.constant 0 : i32
    %while3A_23 = arith.constant 0 : i32
    %while3A_24 = arith.subi %add3A_22, %while3A_23 : i32
    %while3A_25 = arith.addi %while3A_23, %while3A_24 : i32
    %while3A_26 = arith.constant 1 : i32
    %while3A_27 = arith.divsi %while3A_24, %while3A_26 : i32
    %while3A_28 = arith.muli %while3A_27, %while3A_26 : i32
    %while3A_29 = arith.addi %while3A_23, %while3A_28 : i32
    %while3A_30 = arith.constant 1 : i32
    scf.for %while3A_36 = %while3A_23 to %while3A_29 step %while3A_30  : i32 {
      %mul3A_37 = arith.constant 32 : i32
      %mul3A_38 = arith.muli %while3A_36, %mul3A_37 : i32
      %add3A_39 = arith.addi %add3A, %mul3A_38 : i32
      %mul3A_40 = arith.constant 100 : i32
      %mul3A_41 = arith.muli %add3A_39, %mul3A_40 : i32
      %mul3A_42 = arith.constant 128 : i32
      %mul3A_43 = arith.muli %mul3A_41, %mul3A_42 : i32
      "tpu.region"() ({
        %run_scoped3A = tpu.sem_alloc : memref<!tpu.dma_semaphore, #tpu.memory_space<semaphore_mem>>
        %dma_start3A = tpu.memref_slice %arg2[%mul3A_43] : memref<3200000xi32, #tpu.memory_space<hbm>> -> memref<12800xi32, #tpu.memory_space<hbm>>
        %dma_start3A_44 = tpu.memref_slice %arg2[%mul3A_43] : memref<3200000xi32, #tpu.memory_space<hbm>> -> memref<12800xi32, #tpu.memory_space<hbm>>
        tpu.enqueue_dma source(%dma_start3A_44 : memref<12800xi32, #tpu.memory_space<hbm>>) target(%arg6 : memref<12800xi32, #tpu.memory_space<vmem>>) target_semaphore(%run_scoped3A : memref<!tpu.dma_semaphore, #tpu.memory_space<semaphore_mem>>)
        %dma_wait3A = tpu.memref_slice %arg2[%mul3A_43] : memref<3200000xi32, #tpu.memory_space<hbm>> -> memref<12800xi32, #tpu.memory_space<hbm>>
        %dma_wait3A_45 = tpu.memref_slice %arg2[%mul3A_43] : memref<3200000xi32, #tpu.memory_space<hbm>> -> memref<12800xi32, #tpu.memory_space<hbm>>
        tpu.wait_dma2 semaphore(%run_scoped3A : memref<!tpu.dma_semaphore, #tpu.memory_space<semaphore_mem>>) src(%dma_wait3A_45 : memref<12800xi32, #tpu.memory_space<hbm>>) dst(%arg6 : memref<12800xi32, #tpu.memory_space<vmem>>)
        tpu.yield
      }) : () -> ()
      "tpu.region"() ({
        %run_scoped3A = tpu.sem_alloc : memref<!tpu.dma_semaphore, #tpu.memory_space<semaphore_mem>>
        %dma_start3A = arith.constant 0 : i32
        %dma_start3A_44 = tpu.memref_slice %arg9[%dma_start3A] : memref<100352xf32, #tpu.memory_space<vmem_shared>> -> memref<100352xf32, #tpu.memory_space<vmem_shared>>
        tpu.enqueue_indirect_dma source(%arg7 : memref<12800xf32, #tpu.memory_space<vmem>>) target(%dma_start3A_44 : memref<100352xf32, #tpu.memory_space<vmem_shared>>) offsets(%arg6 : memref<12800xi32, #tpu.memory_space<vmem>>) semaphore(%run_scoped3A : memref<!tpu.dma_semaphore, #tpu.memory_space<semaphore_mem>>) {add = true}
        %dma_wait3A = arith.constant 0 : i32
        %dma_wait3A_45 = tpu.memref_slice %arg9[%dma_wait3A] : memref<100352xf32, #tpu.memory_space<vmem_shared>> -> memref<100352xf32, #tpu.memory_space<vmem_shared>>
        tpu.wait_indirect_dma semaphore(%run_scoped3A : memref<!tpu.dma_semaphore, #tpu.memory_space<semaphore_mem>>) src(%arg7 : memref<12800xf32, #tpu.memory_space<vmem>>) dst(%dma_wait3A_45 : memref<100352xf32, #tpu.memory_space<vmem_shared>>)
        tpu.yield
      }) : () -> ()
    }
    %while3A_31 = arith.constant 1 : i32
    scf.for %while3A_36 = %while3A_29 to %while3A_25 step %while3A_31  : i32 {
      %mul3A_37 = arith.constant 32 : i32
      %mul3A_38 = arith.muli %while3A_36, %mul3A_37 : i32
      %add3A_39 = arith.addi %add3A, %mul3A_38 : i32
      %mul3A_40 = arith.constant 100 : i32
      %mul3A_41 = arith.muli %add3A_39, %mul3A_40 : i32
      %mul3A_42 = arith.constant 128 : i32
      %mul3A_43 = arith.muli %mul3A_41, %mul3A_42 : i32
      "tpu.region"() ({
        %run_scoped3A = tpu.sem_alloc : memref<!tpu.dma_semaphore, #tpu.memory_space<semaphore_mem>>
        %dma_start3A = tpu.memref_slice %arg2[%mul3A_43] : memref<3200000xi32, #tpu.memory_space<hbm>> -> memref<12800xi32, #tpu.memory_space<hbm>>
        %dma_start3A_44 = tpu.memref_slice %arg2[%mul3A_43] : memref<3200000xi32, #tpu.memory_space<hbm>> -> memref<12800xi32, #tpu.memory_space<hbm>>
        tpu.enqueue_dma source(%dma_start3A_44 : memref<12800xi32, #tpu.memory_space<hbm>>) target(%arg6 : memref<12800xi32, #tpu.memory_space<vmem>>) target_semaphore(%run_scoped3A : memref<!tpu.dma_semaphore, #tpu.memory_space<semaphore_mem>>)
        %dma_wait3A = tpu.memref_slice %arg2[%mul3A_43] : memref<3200000xi32, #tpu.memory_space<hbm>> -> memref<12800xi32, #tpu.memory_space<hbm>>
        %dma_wait3A_45 = tpu.memref_slice %arg2[%mul3A_43] : memref<3200000xi32, #tpu.memory_space<hbm>> -> memref<12800xi32, #tpu.memory_space<hbm>>
        tpu.wait_dma2 semaphore(%run_scoped3A : memref<!tpu.dma_semaphore, #tpu.memory_space<semaphore_mem>>) src(%dma_wait3A_45 : memref<12800xi32, #tpu.memory_space<hbm>>) dst(%arg6 : memref<12800xi32, #tpu.memory_space<vmem>>)
        tpu.yield
      }) : () -> ()
      "tpu.region"() ({
        %run_scoped3A = tpu.sem_alloc : memref<!tpu.dma_semaphore, #tpu.memory_space<semaphore_mem>>
        %dma_start3A = arith.constant 0 : i32
        %dma_start3A_44 = tpu.memref_slice %arg9[%dma_start3A] : memref<100352xf32, #tpu.memory_space<vmem_shared>> -> memref<100352xf32, #tpu.memory_space<vmem_shared>>
        tpu.enqueue_indirect_dma source(%arg7 : memref<12800xf32, #tpu.memory_space<vmem>>) target(%dma_start3A_44 : memref<100352xf32, #tpu.memory_space<vmem_shared>>) offsets(%arg6 : memref<12800xi32, #tpu.memory_space<vmem>>) semaphore(%run_scoped3A : memref<!tpu.dma_semaphore, #tpu.memory_space<semaphore_mem>>) {add = true}
        %dma_wait3A = arith.constant 0 : i32
        %dma_wait3A_45 = tpu.memref_slice %arg9[%dma_wait3A] : memref<100352xf32, #tpu.memory_space<vmem_shared>> -> memref<100352xf32, #tpu.memory_space<vmem_shared>>
        tpu.wait_indirect_dma semaphore(%run_scoped3A : memref<!tpu.dma_semaphore, #tpu.memory_space<semaphore_mem>>) src(%arg7 : memref<12800xf32, #tpu.memory_space<vmem>>) dst(%dma_wait3A_45 : memref<100352xf32, #tpu.memory_space<vmem_shared>>)
        tpu.yield
      }) : () -> ()
    }
    %barrier3A_32 = arith.constant 0 : index
    tpu.barrier barrier_id(%barrier3A_32)
    "tpu.region"() ({
      %run_scoped3A = tpu.sem_alloc : memref<!tpu.dma_semaphore, #tpu.memory_space<semaphore_mem>>
      %dma_start3A = tpu.memref_slice %arg9[%mul3A_2] : memref<100352xf32, #tpu.memory_space<vmem_shared>> -> memref<6272xf32, #tpu.memory_space<vmem_shared>>
      %dma_start3A_36 = tpu.memref_slice %arg9[%mul3A_2] : memref<100352xf32, #tpu.memory_space<vmem_shared>> -> memref<6272xf32, #tpu.memory_space<vmem_shared>>
      tpu.enqueue_dma source(%dma_start3A_36 : memref<6272xf32, #tpu.memory_space<vmem_shared>>) target(%arg8 : memref<6272xf32, #tpu.memory_space<vmem>>) target_semaphore(%run_scoped3A : memref<!tpu.dma_semaphore, #tpu.memory_space<semaphore_mem>>)
      %dma_wait3A = tpu.memref_slice %arg9[%mul3A_2] : memref<100352xf32, #tpu.memory_space<vmem_shared>> -> memref<6272xf32, #tpu.memory_space<vmem_shared>>
      %dma_wait3A_37 = tpu.memref_slice %arg9[%mul3A_2] : memref<100352xf32, #tpu.memory_space<vmem_shared>> -> memref<6272xf32, #tpu.memory_space<vmem_shared>>
      tpu.wait_dma2 semaphore(%run_scoped3A : memref<!tpu.dma_semaphore, #tpu.memory_space<semaphore_mem>>) src(%dma_wait3A_37 : memref<6272xf32, #tpu.memory_space<vmem_shared>>) dst(%arg8 : memref<6272xf32, #tpu.memory_space<vmem>>)
      tpu.yield
    }) : () -> ()
    %mul3A_33 = arith.constant 100352 : i32
    %mul3A_34 = arith.muli %arg0, %mul3A_33 : i32
    %add3A_35 = arith.addi %mul3A_34, %mul3A_2 : i32
    "tpu.region"() ({
      %run_scoped3A = tpu.sem_alloc : memref<!tpu.dma_semaphore, #tpu.memory_space<semaphore_mem>>
      %dma_start3A = tpu.memref_slice %arg5[%add3A_35] : memref<200704xf32, #tpu.memory_space<hbm>> -> memref<6272xf32, #tpu.memory_space<hbm>>
      %dma_start3A_36 = tpu.memref_slice %arg5[%add3A_35] : memref<200704xf32, #tpu.memory_space<hbm>> -> memref<6272xf32, #tpu.memory_space<hbm>>
      tpu.enqueue_dma source(%arg8 : memref<6272xf32, #tpu.memory_space<vmem>>) target(%dma_start3A_36 : memref<6272xf32, #tpu.memory_space<hbm>>) target_semaphore(%run_scoped3A : memref<!tpu.dma_semaphore, #tpu.memory_space<semaphore_mem>>)
      %dma_wait3A = tpu.memref_slice %arg5[%add3A_35] : memref<200704xf32, #tpu.memory_space<hbm>> -> memref<6272xf32, #tpu.memory_space<hbm>>
      %dma_wait3A_37 = tpu.memref_slice %arg5[%add3A_35] : memref<200704xf32, #tpu.memory_space<hbm>> -> memref<6272xf32, #tpu.memory_space<hbm>>
      tpu.wait_dma2 semaphore(%run_scoped3A : memref<!tpu.dma_semaphore, #tpu.memory_space<semaphore_mem>>) src(%arg8 : memref<6272xf32, #tpu.memory_space<vmem>>) dst(%dma_wait3A_37 : memref<6272xf32, #tpu.memory_space<hbm>>)
      tpu.yield
    }) : () -> ()
    return
  }
}

#map = affine_map<(d0, d1) -> (0)>
#map1 = affine_map<(d0, d1) -> (0, 0)>
module attributes {stable_mosaic.version = 14 : i64} {
  func.func @_conv2_kernel(%arg0: i32, %arg1: i32, %arg2: memref<100352xf32, #tpu.memory_space<hbm>>, %arg3: memref<100352xf32, #tpu.memory_space<hbm>>, %arg4: memref<200704xf32, #tpu.memory_space<hbm>>, %arg5: memref<3200000xi32, #tpu.memory_space<hbm>>, %arg6: memref<3200000xi32, #tpu.memory_space<hbm>>, %arg7: memref<6272xf32, #tpu.memory_space<hbm>>, %arg8: memref<16x16xf32, #tpu.memory_space<hbm>>, %arg9: memref<16x16xf32, #tpu.memory_space<hbm>>, %arg10: memref<16x16xf32, #tpu.memory_space<hbm>>, %arg11: memref<200704xf32, #tpu.memory_space<hbm>>, %arg12: memref<100352xf32, #tpu.memory_space<hbm>>, %arg13: memref<12800xi32, #tpu.memory_space<vmem>>, %arg14: memref<12800xi32, #tpu.memory_space<vmem>>, %arg15: memref<12800xf32, #tpu.memory_space<vmem>>, %arg16: memref<6272xf32, #tpu.memory_space<vmem>>, %arg17: memref<6272xf32, #tpu.memory_space<vmem>>, %arg18: memref<6272xf32, #tpu.memory_space<vmem>>, %arg19: memref<6272xf32, #tpu.memory_space<vmem>>, %arg20: memref<6272xf32, #tpu.memory_space<vmem>>, %arg21: memref<16x16xf32, #tpu.memory_space<vmem>>, %arg22: memref<16x16xf32, #tpu.memory_space<vmem>>, %arg23: memref<16x16xf32, #tpu.memory_space<vmem>>, %arg24: memref<100352xf32, #tpu.memory_space<vmem_shared>>, %arg25: memref<100352xf32, #tpu.memory_space<vmem_shared>>) attributes {dimension_semantics = [#tpu.dimension_semantics<core_parallel>, #tpu.dimension_semantics<subcore_parallel>], iteration_bounds = array<i64: 2, 16>, scalar_prefetch = 0 : i64, scratch_operands = 13 : i64, tpu.core_type = #tpu.core_type<sc_vector_subcore>, window_params = [{transform_indices = #map}, {transform_indices = #map}, {transform_indices = #map}, {transform_indices = #map}, {transform_indices = #map}, {transform_indices = #map}, {transform_indices = #map1}, {transform_indices = #map1}, {transform_indices = #map1}, {transform_indices = #map}, {transform_indices = #map}]} {
    %mul3A = arith.constant 2 : i32
    %mul3A_0 = arith.muli %arg1, %mul3A : i32
    %add3A = arith.addi %mul3A_0, %arg0 : i32
    %mul3A_1 = arith.constant 6272 : i32
    %mul3A_2 = arith.muli %arg1, %mul3A_1 : i32
    "tpu.region"() ({
      %run_scoped3A = tpu.sem_alloc : memref<!tpu.dma_semaphore, #tpu.memory_space<semaphore_mem>>
      tpu.enqueue_dma source(%arg7 : memref<6272xf32, #tpu.memory_space<hbm>>) target(%arg20 : memref<6272xf32, #tpu.memory_space<vmem>>) target_semaphore(%run_scoped3A : memref<!tpu.dma_semaphore, #tpu.memory_space<semaphore_mem>>)
      tpu.wait_dma2 semaphore(%run_scoped3A : memref<!tpu.dma_semaphore, #tpu.memory_space<semaphore_mem>>) src(%arg7 : memref<6272xf32, #tpu.memory_space<hbm>>) dst(%arg20 : memref<6272xf32, #tpu.memory_space<vmem>>)
      tpu.yield
    }) : () -> ()
    "tpu.region"() ({
      %run_scoped3A = tpu.sem_alloc : memref<!tpu.dma_semaphore, #tpu.memory_space<semaphore_mem>>
      %dma_start3A = tpu.memref_slice %arg25[%mul3A_2] : memref<100352xf32, #tpu.memory_space<vmem_shared>> -> memref<6272xf32, #tpu.memory_space<vmem_shared>>
      %dma_start3A_45 = tpu.memref_slice %arg25[%mul3A_2] : memref<100352xf32, #tpu.memory_space<vmem_shared>> -> memref<6272xf32, #tpu.memory_space<vmem_shared>>
      tpu.enqueue_dma source(%arg20 : memref<6272xf32, #tpu.memory_space<vmem>>) target(%dma_start3A_45 : memref<6272xf32, #tpu.memory_space<vmem_shared>>) target_semaphore(%run_scoped3A : memref<!tpu.dma_semaphore, #tpu.memory_space<semaphore_mem>>)
      %dma_wait3A = tpu.memref_slice %arg25[%mul3A_2] : memref<100352xf32, #tpu.memory_space<vmem_shared>> -> memref<6272xf32, #tpu.memory_space<vmem_shared>>
      %dma_wait3A_46 = tpu.memref_slice %arg25[%mul3A_2] : memref<100352xf32, #tpu.memory_space<vmem_shared>> -> memref<6272xf32, #tpu.memory_space<vmem_shared>>
      tpu.wait_dma2 semaphore(%run_scoped3A : memref<!tpu.dma_semaphore, #tpu.memory_space<semaphore_mem>>) src(%arg20 : memref<6272xf32, #tpu.memory_space<vmem>>) dst(%dma_wait3A_46 : memref<6272xf32, #tpu.memory_space<vmem_shared>>)
      tpu.yield
    }) : () -> ()
    "tpu.region"() ({
      %run_scoped3A = tpu.sem_alloc : memref<!tpu.dma_semaphore, #tpu.memory_space<semaphore_mem>>
      %dma_start3A = tpu.memref_slice %arg4[%mul3A_2] : memref<200704xf32, #tpu.memory_space<hbm>> -> memref<6272xf32, #tpu.memory_space<hbm>>
      %dma_start3A_45 = tpu.memref_slice %arg4[%mul3A_2] : memref<200704xf32, #tpu.memory_space<hbm>> -> memref<6272xf32, #tpu.memory_space<hbm>>
      tpu.enqueue_dma source(%dma_start3A_45 : memref<6272xf32, #tpu.memory_space<hbm>>) target(%arg16 : memref<6272xf32, #tpu.memory_space<vmem>>) target_semaphore(%run_scoped3A : memref<!tpu.dma_semaphore, #tpu.memory_space<semaphore_mem>>)
      %dma_wait3A = tpu.memref_slice %arg4[%mul3A_2] : memref<200704xf32, #tpu.memory_space<hbm>> -> memref<6272xf32, #tpu.memory_space<hbm>>
      %dma_wait3A_46 = tpu.memref_slice %arg4[%mul3A_2] : memref<200704xf32, #tpu.memory_space<hbm>> -> memref<6272xf32, #tpu.memory_space<hbm>>
      tpu.wait_dma2 semaphore(%run_scoped3A : memref<!tpu.dma_semaphore, #tpu.memory_space<semaphore_mem>>) src(%dma_wait3A_46 : memref<6272xf32, #tpu.memory_space<hbm>>) dst(%arg16 : memref<6272xf32, #tpu.memory_space<vmem>>)
      tpu.yield
    }) : () -> ()
    %add3A_3 = arith.constant 100352 : i32
    %add3A_4 = arith.addi %add3A_3, %mul3A_2 : i32
    "tpu.region"() ({
      %run_scoped3A = tpu.sem_alloc : memref<!tpu.dma_semaphore, #tpu.memory_space<semaphore_mem>>
      %dma_start3A = tpu.memref_slice %arg4[%add3A_4] : memref<200704xf32, #tpu.memory_space<hbm>> -> memref<6272xf32, #tpu.memory_space<hbm>>
      %dma_start3A_45 = tpu.memref_slice %arg4[%add3A_4] : memref<200704xf32, #tpu.memory_space<hbm>> -> memref<6272xf32, #tpu.memory_space<hbm>>
      tpu.enqueue_dma source(%dma_start3A_45 : memref<6272xf32, #tpu.memory_space<hbm>>) target(%arg17 : memref<6272xf32, #tpu.memory_space<vmem>>) target_semaphore(%run_scoped3A : memref<!tpu.dma_semaphore, #tpu.memory_space<semaphore_mem>>)
      %dma_wait3A = tpu.memref_slice %arg4[%add3A_4] : memref<200704xf32, #tpu.memory_space<hbm>> -> memref<6272xf32, #tpu.memory_space<hbm>>
      %dma_wait3A_46 = tpu.memref_slice %arg4[%add3A_4] : memref<200704xf32, #tpu.memory_space<hbm>> -> memref<6272xf32, #tpu.memory_space<hbm>>
      tpu.wait_dma2 semaphore(%run_scoped3A : memref<!tpu.dma_semaphore, #tpu.memory_space<semaphore_mem>>) src(%dma_wait3A_46 : memref<6272xf32, #tpu.memory_space<hbm>>) dst(%arg17 : memref<6272xf32, #tpu.memory_space<vmem>>)
      tpu.yield
    }) : () -> ()
    "tpu.region"() ({
      %run_scoped3A = tpu.sem_alloc : memref<!tpu.dma_semaphore, #tpu.memory_space<semaphore_mem>>
      %dma_start3A = tpu.memref_slice %arg2[%mul3A_2] : memref<100352xf32, #tpu.memory_space<hbm>> -> memref<6272xf32, #tpu.memory_space<hbm>>
      %dma_start3A_45 = tpu.memref_slice %arg2[%mul3A_2] : memref<100352xf32, #tpu.memory_space<hbm>> -> memref<6272xf32, #tpu.memory_space<hbm>>
      tpu.enqueue_dma source(%dma_start3A_45 : memref<6272xf32, #tpu.memory_space<hbm>>) target(%arg18 : memref<6272xf32, #tpu.memory_space<vmem>>) target_semaphore(%run_scoped3A : memref<!tpu.dma_semaphore, #tpu.memory_space<semaphore_mem>>)
      %dma_wait3A = tpu.memref_slice %arg2[%mul3A_2] : memref<100352xf32, #tpu.memory_space<hbm>> -> memref<6272xf32, #tpu.memory_space<hbm>>
      %dma_wait3A_46 = tpu.memref_slice %arg2[%mul3A_2] : memref<100352xf32, #tpu.memory_space<hbm>> -> memref<6272xf32, #tpu.memory_space<hbm>>
      tpu.wait_dma2 semaphore(%run_scoped3A : memref<!tpu.dma_semaphore, #tpu.memory_space<semaphore_mem>>) src(%dma_wait3A_46 : memref<6272xf32, #tpu.memory_space<hbm>>) dst(%arg18 : memref<6272xf32, #tpu.memory_space<vmem>>)
      tpu.yield
    }) : () -> ()
    "tpu.region"() ({
      %run_scoped3A = tpu.sem_alloc : memref<!tpu.dma_semaphore, #tpu.memory_space<semaphore_mem>>
      %dma_start3A = tpu.memref_slice %arg3[%mul3A_2] : memref<100352xf32, #tpu.memory_space<hbm>> -> memref<6272xf32, #tpu.memory_space<hbm>>
      %dma_start3A_45 = tpu.memref_slice %arg3[%mul3A_2] : memref<100352xf32, #tpu.memory_space<hbm>> -> memref<6272xf32, #tpu.memory_space<hbm>>
      tpu.enqueue_dma source(%dma_start3A_45 : memref<6272xf32, #tpu.memory_space<hbm>>) target(%arg19 : memref<6272xf32, #tpu.memory_space<vmem>>) target_semaphore(%run_scoped3A : memref<!tpu.dma_semaphore, #tpu.memory_space<semaphore_mem>>)
      %dma_wait3A = tpu.memref_slice %arg3[%mul3A_2] : memref<100352xf32, #tpu.memory_space<hbm>> -> memref<6272xf32, #tpu.memory_space<hbm>>
      %dma_wait3A_46 = tpu.memref_slice %arg3[%mul3A_2] : memref<100352xf32, #tpu.memory_space<hbm>> -> memref<6272xf32, #tpu.memory_space<hbm>>
      tpu.wait_dma2 semaphore(%run_scoped3A : memref<!tpu.dma_semaphore, #tpu.memory_space<semaphore_mem>>) src(%dma_wait3A_46 : memref<6272xf32, #tpu.memory_space<hbm>>) dst(%arg19 : memref<6272xf32, #tpu.memory_space<vmem>>)
      tpu.yield
    }) : () -> ()
    "tpu.region"() ({
      %run_scoped3A = tpu.sem_alloc : memref<!tpu.dma_semaphore, #tpu.memory_space<semaphore_mem>>
      tpu.enqueue_dma source(%arg8 : memref<16x16xf32, #tpu.memory_space<hbm>>) target(%arg21 : memref<16x16xf32, #tpu.memory_space<vmem>>) target_semaphore(%run_scoped3A : memref<!tpu.dma_semaphore, #tpu.memory_space<semaphore_mem>>)
      tpu.wait_dma2 semaphore(%run_scoped3A : memref<!tpu.dma_semaphore, #tpu.memory_space<semaphore_mem>>) src(%arg8 : memref<16x16xf32, #tpu.memory_space<hbm>>) dst(%arg21 : memref<16x16xf32, #tpu.memory_space<vmem>>)
      tpu.yield
    }) : () -> ()
    "tpu.region"() ({
      %run_scoped3A = tpu.sem_alloc : memref<!tpu.dma_semaphore, #tpu.memory_space<semaphore_mem>>
      tpu.enqueue_dma source(%arg9 : memref<16x16xf32, #tpu.memory_space<hbm>>) target(%arg22 : memref<16x16xf32, #tpu.memory_space<vmem>>) target_semaphore(%run_scoped3A : memref<!tpu.dma_semaphore, #tpu.memory_space<semaphore_mem>>)
      tpu.wait_dma2 semaphore(%run_scoped3A : memref<!tpu.dma_semaphore, #tpu.memory_space<semaphore_mem>>) src(%arg9 : memref<16x16xf32, #tpu.memory_space<hbm>>) dst(%arg22 : memref<16x16xf32, #tpu.memory_space<vmem>>)
      tpu.yield
    }) : () -> ()
    "tpu.region"() ({
      %run_scoped3A = tpu.sem_alloc : memref<!tpu.dma_semaphore, #tpu.memory_space<semaphore_mem>>
      tpu.enqueue_dma source(%arg10 : memref<16x16xf32, #tpu.memory_space<hbm>>) target(%arg23 : memref<16x16xf32, #tpu.memory_space<vmem>>) target_semaphore(%run_scoped3A : memref<!tpu.dma_semaphore, #tpu.memory_space<semaphore_mem>>)
      tpu.wait_dma2 semaphore(%run_scoped3A : memref<!tpu.dma_semaphore, #tpu.memory_space<semaphore_mem>>) src(%arg10 : memref<16x16xf32, #tpu.memory_space<hbm>>) dst(%arg23 : memref<16x16xf32, #tpu.memory_space<vmem>>)
      tpu.yield
    }) : () -> ()
    %scan3A = arith.constant 0 : i32
    %scan3A_5 = arith.constant 0 : i32
    %scan3A_6 = arith.constant 392 : i32
    %scan3A_7 = arith.addi %scan3A_5, %scan3A_6 : i32
    %scan3A_8 = arith.constant 1 : i32
    scf.for %scan3A_45 = %scan3A_5 to %scan3A_7 step %scan3A_8  : i32 {
      %mul3A_46 = arith.constant 16 : i32
      %mul3A_47 = arith.muli %scan3A_45, %mul3A_46 : i32
      %get3A = arith.index_cast %mul3A_47 : i32 to index
      %get3A_48 = tpu.vector_load %arg19[%get3A] {strides = array<i32>} : memref<6272xf32, #tpu.memory_space<vmem>>, vector<16xf32>,
      %get3A_49 = vector.shape_cast %get3A_48 : vector<16xf32> to vector<16xf32>
      %get3A_50 = arith.index_cast %mul3A_47 : i32 to index
      %get3A_51 = tpu.vector_load %arg16[%get3A_50] {strides = array<i32>} : memref<6272xf32, #tpu.memory_space<vmem>>, vector<16xf32>,
      %get3A_52 = vector.shape_cast %get3A_51 : vector<16xf32> to vector<16xf32>
      %get3A_53 = arith.index_cast %mul3A_47 : i32 to index
      %get3A_54 = tpu.vector_load %arg17[%get3A_53] {strides = array<i32>} : memref<6272xf32, #tpu.memory_space<vmem>>, vector<16xf32>,
      %get3A_55 = vector.shape_cast %get3A_54 : vector<16xf32> to vector<16xf32>
      %add3A_56 = arith.addf %get3A_52, %get3A_55 : vector<16xf32>
      %get3A_57 = arith.index_cast %mul3A_47 : i32 to index
      %get3A_58 = tpu.vector_load %arg18[%get3A_57] {strides = array<i32>} : memref<6272xf32, #tpu.memory_space<vmem>>, vector<16xf32>,
      %get3A_59 = vector.shape_cast %get3A_58 : vector<16xf32> to vector<16xf32>
      %mul3A_60 = arith.mulf %get3A_49, %get3A_59 : vector<16xf32>
      %add3A_61 = arith.addf %add3A_56, %mul3A_60 : vector<16xf32>
      %mul3A_62 = arith.mulf %get3A_49, %add3A_61 : vector<16xf32>
      %broadcast_in_dim3A = arith.constant 0.000000e+00 : f32
      %broadcast_in_dim3A_63 = vector.broadcast %broadcast_in_dim3A : f32 to vector<16xf32>
      %get3A_64 = arith.constant 0 : i32
      %get3A_65 = arith.index_cast %get3A_64 : i32 to index
      %get3A_66 = arith.constant 0 : index
      %get3A_67 = tpu.vector_load %arg21[%get3A_65, %get3A_66] {strides = array<i32>} : memref<16x16xf32, #tpu.memory_space<vmem>>, vector<1x16xf32>,
      %get3A_68 = vector.shape_cast %get3A_67 : vector<1x16xf32> to vector<16xf32>
      %mul3A_69 = arith.mulf %mul3A_62, %get3A_68 : vector<16xf32>
      %get3A_70 = arith.constant 0 : i32
      %get3A_71 = arith.index_cast %get3A_70 : i32 to index
      %get3A_72 = arith.constant 0 : index
      %get3A_73 = tpu.vector_load %arg22[%get3A_71, %get3A_72] {strides = array<i32>} : memref<16x16xf32, #tpu.memory_space<vmem>>, vector<1x16xf32>,
      %get3A_74 = vector.shape_cast %get3A_73 : vector<1x16xf32> to vector<16xf32>
      %add3A_75 = arith.addf %mul3A_69, %get3A_74 : vector<16xf32>
      %max3A = arith.constant 0.000000e+00 : f32
      %max3A_76 = vector.broadcast %max3A : f32 to vector<16xf32>
      %max3A_77 = arith.maximumf %add3A_75, %max3A_76 : vector<16xf32>
      %get3A_78 = arith.constant 0 : i32
      %get3A_79 = arith.index_cast %get3A_78 : i32 to index
      %get3A_80 = arith.constant 0 : index
      %get3A_81 = tpu.vector_load %arg23[%get3A_79, %get3A_80] {strides = array<i32>} : memref<16x16xf32, #tpu.memory_space<vmem>>, vector<1x16xf32>,
      %get3A_82 = vector.shape_cast %get3A_81 : vector<1x16xf32> to vector<16xf32>
      %mul3A_83 = arith.mulf %max3A_77, %get3A_82 : vector<16xf32>
      %add3A_84 = arith.addf %broadcast_in_dim3A_63, %mul3A_83 : vector<16xf32>
      %get3A_85 = arith.constant 1 : i32
      %get3A_86 = arith.index_cast %get3A_85 : i32 to index
      %get3A_87 = arith.constant 0 : index
      %get3A_88 = tpu.vector_load %arg21[%get3A_86, %get3A_87] {strides = array<i32>} : memref<16x16xf32, #tpu.memory_space<vmem>>, vector<1x16xf32>,
      %get3A_89 = vector.shape_cast %get3A_88 : vector<1x16xf32> to vector<16xf32>
      %mul3A_90 = arith.mulf %mul3A_62, %get3A_89 : vector<16xf32>
      %get3A_91 = arith.constant 1 : i32
      %get3A_92 = arith.index_cast %get3A_91 : i32 to index
      %get3A_93 = arith.constant 0 : index
      %get3A_94 = tpu.vector_load %arg22[%get3A_92, %get3A_93] {strides = array<i32>} : memref<16x16xf32, #tpu.memory_space<vmem>>, vector<1x16xf32>,
      %get3A_95 = vector.shape_cast %get3A_94 : vector<1x16xf32> to vector<16xf32>
      %add3A_96 = arith.addf %mul3A_90, %get3A_95 : vector<16xf32>
      %max3A_97 = arith.constant 0.000000e+00 : f32
      %max3A_98 = vector.broadcast %max3A_97 : f32 to vector<16xf32>
      %max3A_99 = arith.maximumf %add3A_96, %max3A_98 : vector<16xf32>
      %get3A_100 = arith.constant 1 : i32
      %get3A_101 = arith.index_cast %get3A_100 : i32 to index
      %get3A_102 = arith.constant 0 : index
      %get3A_103 = tpu.vector_load %arg23[%get3A_101, %get3A_102] {strides = array<i32>} : memref<16x16xf32, #tpu.memory_space<vmem>>, vector<1x16xf32>,
      %get3A_104 = vector.shape_cast %get3A_103 : vector<1x16xf32> to vector<16xf32>
      %mul3A_105 = arith.mulf %max3A_99, %get3A_104 : vector<16xf32>
      %add3A_106 = arith.addf %add3A_84, %mul3A_105 : vector<16xf32>
      %get3A_107 = arith.constant 2 : i32
      %get3A_108 = arith.index_cast %get3A_107 : i32 to index
      %get3A_109 = arith.constant 0 : index
      %get3A_110 = tpu.vector_load %arg21[%get3A_108, %get3A_109] {strides = array<i32>} : memref<16x16xf32, #tpu.memory_space<vmem>>, vector<1x16xf32>,
      %get3A_111 = vector.shape_cast %get3A_110 : vector<1x16xf32> to vector<16xf32>
      %mul3A_112 = arith.mulf %mul3A_62, %get3A_111 : vector<16xf32>
      %get3A_113 = arith.constant 2 : i32
      %get3A_114 = arith.index_cast %get3A_113 : i32 to index
      %get3A_115 = arith.constant 0 : index
      %get3A_116 = tpu.vector_load %arg22[%get3A_114, %get3A_115] {strides = array<i32>} : memref<16x16xf32, #tpu.memory_space<vmem>>, vector<1x16xf32>,
      %get3A_117 = vector.shape_cast %get3A_116 : vector<1x16xf32> to vector<16xf32>
      %add3A_118 = arith.addf %mul3A_112, %get3A_117 : vector<16xf32>
      %max3A_119 = arith.constant 0.000000e+00 : f32
      %max3A_120 = vector.broadcast %max3A_119 : f32 to vector<16xf32>
      %max3A_121 = arith.maximumf %add3A_118, %max3A_120 : vector<16xf32>
      %get3A_122 = arith.constant 2 : i32
      %get3A_123 = arith.index_cast %get3A_122 : i32 to index
      %get3A_124 = arith.constant 0 : index
      %get3A_125 = tpu.vector_load %arg23[%get3A_123, %get3A_124] {strides = array<i32>} : memref<16x16xf32, #tpu.memory_space<vmem>>, vector<1x16xf32>,
      %get3A_126 = vector.shape_cast %get3A_125 : vector<1x16xf32> to vector<16xf32>
      %mul3A_127 = arith.mulf %max3A_121, %get3A_126 : vector<16xf32>
      %add3A_128 = arith.addf %add3A_106, %mul3A_127 : vector<16xf32>
      %get3A_129 = arith.constant 3 : i32
      %get3A_130 = arith.index_cast %get3A_129 : i32 to index
      %get3A_131 = arith.constant 0 : index
      %get3A_132 = tpu.vector_load %arg21[%get3A_130, %get3A_131] {strides = array<i32>} : memref<16x16xf32, #tpu.memory_space<vmem>>, vector<1x16xf32>,
      %get3A_133 = vector.shape_cast %get3A_132 : vector<1x16xf32> to vector<16xf32>
      %mul3A_134 = arith.mulf %mul3A_62, %get3A_133 : vector<16xf32>
      %get3A_135 = arith.constant 3 : i32
      %get3A_136 = arith.index_cast %get3A_135 : i32 to index
      %get3A_137 = arith.constant 0 : index
      %get3A_138 = tpu.vector_load %arg22[%get3A_136, %get3A_137] {strides = array<i32>} : memref<16x16xf32, #tpu.memory_space<vmem>>, vector<1x16xf32>,
      %get3A_139 = vector.shape_cast %get3A_138 : vector<1x16xf32> to vector<16xf32>
      %add3A_140 = arith.addf %mul3A_134, %get3A_139 : vector<16xf32>
      %max3A_141 = arith.constant 0.000000e+00 : f32
      %max3A_142 = vector.broadcast %max3A_141 : f32 to vector<16xf32>
      %max3A_143 = arith.maximumf %add3A_140, %max3A_142 : vector<16xf32>
      %get3A_144 = arith.constant 3 : i32
      %get3A_145 = arith.index_cast %get3A_144 : i32 to index
      %get3A_146 = arith.constant 0 : index
      %get3A_147 = tpu.vector_load %arg23[%get3A_145, %get3A_146] {strides = array<i32>} : memref<16x16xf32, #tpu.memory_space<vmem>>, vector<1x16xf32>,
      %get3A_148 = vector.shape_cast %get3A_147 : vector<1x16xf32> to vector<16xf32>
      %mul3A_149 = arith.mulf %max3A_143, %get3A_148 : vector<16xf32>
      %add3A_150 = arith.addf %add3A_128, %mul3A_149 : vector<16xf32>
      %get3A_151 = arith.constant 4 : i32
      %get3A_152 = arith.index_cast %get3A_151 : i32 to index
      %get3A_153 = arith.constant 0 : index
      %get3A_154 = tpu.vector_load %arg21[%get3A_152, %get3A_153] {strides = array<i32>} : memref<16x16xf32, #tpu.memory_space<vmem>>, vector<1x16xf32>,
      %get3A_155 = vector.shape_cast %get3A_154 : vector<1x16xf32> to vector<16xf32>
      %mul3A_156 = arith.mulf %mul3A_62, %get3A_155 : vector<16xf32>
      %get3A_157 = arith.constant 4 : i32
      %get3A_158 = arith.index_cast %get3A_157 : i32 to index
      %get3A_159 = arith.constant 0 : index
      %get3A_160 = tpu.vector_load %arg22[%get3A_158, %get3A_159] {strides = array<i32>} : memref<16x16xf32, #tpu.memory_space<vmem>>, vector<1x16xf32>,
      %get3A_161 = vector.shape_cast %get3A_160 : vector<1x16xf32> to vector<16xf32>
      %add3A_162 = arith.addf %mul3A_156, %get3A_161 : vector<16xf32>
      %max3A_163 = arith.constant 0.000000e+00 : f32
      %max3A_164 = vector.broadcast %max3A_163 : f32 to vector<16xf32>
      %max3A_165 = arith.maximumf %add3A_162, %max3A_164 : vector<16xf32>
      %get3A_166 = arith.constant 4 : i32
      %get3A_167 = arith.index_cast %get3A_166 : i32 to index
      %get3A_168 = arith.constant 0 : index
      %get3A_169 = tpu.vector_load %arg23[%get3A_167, %get3A_168] {strides = array<i32>} : memref<16x16xf32, #tpu.memory_space<vmem>>, vector<1x16xf32>,
      %get3A_170 = vector.shape_cast %get3A_169 : vector<1x16xf32> to vector<16xf32>
      %mul3A_171 = arith.mulf %max3A_165, %get3A_170 : vector<16xf32>
      %add3A_172 = arith.addf %add3A_150, %mul3A_171 : vector<16xf32>
      %get3A_173 = arith.constant 5 : i32
      %get3A_174 = arith.index_cast %get3A_173 : i32 to index
      %get3A_175 = arith.constant 0 : index
      %get3A_176 = tpu.vector_load %arg21[%get3A_174, %get3A_175] {strides = array<i32>} : memref<16x16xf32, #tpu.memory_space<vmem>>, vector<1x16xf32>,
      %get3A_177 = vector.shape_cast %get3A_176 : vector<1x16xf32> to vector<16xf32>
      %mul3A_178 = arith.mulf %mul3A_62, %get3A_177 : vector<16xf32>
      %get3A_179 = arith.constant 5 : i32
      %get3A_180 = arith.index_cast %get3A_179 : i32 to index
      %get3A_181 = arith.constant 0 : index
      %get3A_182 = tpu.vector_load %arg22[%get3A_180, %get3A_181] {strides = array<i32>} : memref<16x16xf32, #tpu.memory_space<vmem>>, vector<1x16xf32>,
      %get3A_183 = vector.shape_cast %get3A_182 : vector<1x16xf32> to vector<16xf32>
      %add3A_184 = arith.addf %mul3A_178, %get3A_183 : vector<16xf32>
      %max3A_185 = arith.constant 0.000000e+00 : f32
      %max3A_186 = vector.broadcast %max3A_185 : f32 to vector<16xf32>
      %max3A_187 = arith.maximumf %add3A_184, %max3A_186 : vector<16xf32>
      %get3A_188 = arith.constant 5 : i32
      %get3A_189 = arith.index_cast %get3A_188 : i32 to index
      %get3A_190 = arith.constant 0 : index
      %get3A_191 = tpu.vector_load %arg23[%get3A_189, %get3A_190] {strides = array<i32>} : memref<16x16xf32, #tpu.memory_space<vmem>>, vector<1x16xf32>,
      %get3A_192 = vector.shape_cast %get3A_191 : vector<1x16xf32> to vector<16xf32>
      %mul3A_193 = arith.mulf %max3A_187, %get3A_192 : vector<16xf32>
      %add3A_194 = arith.addf %add3A_172, %mul3A_193 : vector<16xf32>
      %get3A_195 = arith.constant 6 : i32
      %get3A_196 = arith.index_cast %get3A_195 : i32 to index
      %get3A_197 = arith.constant 0 : index
      %get3A_198 = tpu.vector_load %arg21[%get3A_196, %get3A_197] {strides = array<i32>} : memref<16x16xf32, #tpu.memory_space<vmem>>, vector<1x16xf32>,
      %get3A_199 = vector.shape_cast %get3A_198 : vector<1x16xf32> to vector<16xf32>
      %mul3A_200 = arith.mulf %mul3A_62, %get3A_199 : vector<16xf32>
      %get3A_201 = arith.constant 6 : i32
      %get3A_202 = arith.index_cast %get3A_201 : i32 to index
      %get3A_203 = arith.constant 0 : index
      %get3A_204 = tpu.vector_load %arg22[%get3A_202, %get3A_203] {strides = array<i32>} : memref<16x16xf32, #tpu.memory_space<vmem>>, vector<1x16xf32>,
      %get3A_205 = vector.shape_cast %get3A_204 : vector<1x16xf32> to vector<16xf32>
      %add3A_206 = arith.addf %mul3A_200, %get3A_205 : vector<16xf32>
      %max3A_207 = arith.constant 0.000000e+00 : f32
      %max3A_208 = vector.broadcast %max3A_207 : f32 to vector<16xf32>
      %max3A_209 = arith.maximumf %add3A_206, %max3A_208 : vector<16xf32>
      %get3A_210 = arith.constant 6 : i32
      %get3A_211 = arith.index_cast %get3A_210 : i32 to index
      %get3A_212 = arith.constant 0 : index
      %get3A_213 = tpu.vector_load %arg23[%get3A_211, %get3A_212] {strides = array<i32>} : memref<16x16xf32, #tpu.memory_space<vmem>>, vector<1x16xf32>,
      %get3A_214 = vector.shape_cast %get3A_213 : vector<1x16xf32> to vector<16xf32>
      %mul3A_215 = arith.mulf %max3A_209, %get3A_214 : vector<16xf32>
      %add3A_216 = arith.addf %add3A_194, %mul3A_215 : vector<16xf32>
      %get3A_217 = arith.constant 7 : i32
      %get3A_218 = arith.index_cast %get3A_217 : i32 to index
      %get3A_219 = arith.constant 0 : index
      %get3A_220 = tpu.vector_load %arg21[%get3A_218, %get3A_219] {strides = array<i32>} : memref<16x16xf32, #tpu.memory_space<vmem>>, vector<1x16xf32>,
      %get3A_221 = vector.shape_cast %get3A_220 : vector<1x16xf32> to vector<16xf32>
      %mul3A_222 = arith.mulf %mul3A_62, %get3A_221 : vector<16xf32>
      %get3A_223 = arith.constant 7 : i32
      %get3A_224 = arith.index_cast %get3A_223 : i32 to index
      %get3A_225 = arith.constant 0 : index
      %get3A_226 = tpu.vector_load %arg22[%get3A_224, %get3A_225] {strides = array<i32>} : memref<16x16xf32, #tpu.memory_space<vmem>>, vector<1x16xf32>,
      %get3A_227 = vector.shape_cast %get3A_226 : vector<1x16xf32> to vector<16xf32>
      %add3A_228 = arith.addf %mul3A_222, %get3A_227 : vector<16xf32>
      %max3A_229 = arith.constant 0.000000e+00 : f32
      %max3A_230 = vector.broadcast %max3A_229 : f32 to vector<16xf32>
      %max3A_231 = arith.maximumf %add3A_228, %max3A_230 : vector<16xf32>
      %get3A_232 = arith.constant 7 : i32
      %get3A_233 = arith.index_cast %get3A_232 : i32 to index
      %get3A_234 = arith.constant 0 : index
      %get3A_235 = tpu.vector_load %arg23[%get3A_233, %get3A_234] {strides = array<i32>} : memref<16x16xf32, #tpu.memory_space<vmem>>, vector<1x16xf32>,
      %get3A_236 = vector.shape_cast %get3A_235 : vector<1x16xf32> to vector<16xf32>
      %mul3A_237 = arith.mulf %max3A_231, %get3A_236 : vector<16xf32>
      %add3A_238 = arith.addf %add3A_216, %mul3A_237 : vector<16xf32>
      %get3A_239 = arith.constant 8 : i32
      %get3A_240 = arith.index_cast %get3A_239 : i32 to index
      %get3A_241 = arith.constant 0 : index
      %get3A_242 = tpu.vector_load %arg21[%get3A_240, %get3A_241] {strides = array<i32>} : memref<16x16xf32, #tpu.memory_space<vmem>>, vector<1x16xf32>,
      %get3A_243 = vector.shape_cast %get3A_242 : vector<1x16xf32> to vector<16xf32>
      %mul3A_244 = arith.mulf %mul3A_62, %get3A_243 : vector<16xf32>
      %get3A_245 = arith.constant 8 : i32
      %get3A_246 = arith.index_cast %get3A_245 : i32 to index
      %get3A_247 = arith.constant 0 : index
      %get3A_248 = tpu.vector_load %arg22[%get3A_246, %get3A_247] {strides = array<i32>} : memref<16x16xf32, #tpu.memory_space<vmem>>, vector<1x16xf32>,
      %get3A_249 = vector.shape_cast %get3A_248 : vector<1x16xf32> to vector<16xf32>
      %add3A_250 = arith.addf %mul3A_244, %get3A_249 : vector<16xf32>
      %max3A_251 = arith.constant 0.000000e+00 : f32
      %max3A_252 = vector.broadcast %max3A_251 : f32 to vector<16xf32>
      %max3A_253 = arith.maximumf %add3A_250, %max3A_252 : vector<16xf32>
      %get3A_254 = arith.constant 8 : i32
      %get3A_255 = arith.index_cast %get3A_254 : i32 to index
      %get3A_256 = arith.constant 0 : index
      %get3A_257 = tpu.vector_load %arg23[%get3A_255, %get3A_256] {strides = array<i32>} : memref<16x16xf32, #tpu.memory_space<vmem>>, vector<1x16xf32>,
      %get3A_258 = vector.shape_cast %get3A_257 : vector<1x16xf32> to vector<16xf32>
      %mul3A_259 = arith.mulf %max3A_253, %get3A_258 : vector<16xf32>
      %add3A_260 = arith.addf %add3A_238, %mul3A_259 : vector<16xf32>
      %get3A_261 = arith.constant 9 : i32
      %get3A_262 = arith.index_cast %get3A_261 : i32 to index
      %get3A_263 = arith.constant 0 : index
      %get3A_264 = tpu.vector_load %arg21[%get3A_262, %get3A_263] {strides = array<i32>} : memref<16x16xf32, #tpu.memory_space<vmem>>, vector<1x16xf32>,
      %get3A_265 = vector.shape_cast %get3A_264 : vector<1x16xf32> to vector<16xf32>
      %mul3A_266 = arith.mulf %mul3A_62, %get3A_265 : vector<16xf32>
      %get3A_267 = arith.constant 9 : i32
      %get3A_268 = arith.index_cast %get3A_267 : i32 to index
      %get3A_269 = arith.constant 0 : index
      %get3A_270 = tpu.vector_load %arg22[%get3A_268, %get3A_269] {strides = array<i32>} : memref<16x16xf32, #tpu.memory_space<vmem>>, vector<1x16xf32>,
      %get3A_271 = vector.shape_cast %get3A_270 : vector<1x16xf32> to vector<16xf32>
      %add3A_272 = arith.addf %mul3A_266, %get3A_271 : vector<16xf32>
      %max3A_273 = arith.constant 0.000000e+00 : f32
      %max3A_274 = vector.broadcast %max3A_273 : f32 to vector<16xf32>
      %max3A_275 = arith.maximumf %add3A_272, %max3A_274 : vector<16xf32>
      %get3A_276 = arith.constant 9 : i32
      %get3A_277 = arith.index_cast %get3A_276 : i32 to index
      %get3A_278 = arith.constant 0 : index
      %get3A_279 = tpu.vector_load %arg23[%get3A_277, %get3A_278] {strides = array<i32>} : memref<16x16xf32, #tpu.memory_space<vmem>>, vector<1x16xf32>,
      %get3A_280 = vector.shape_cast %get3A_279 : vector<1x16xf32> to vector<16xf32>
      %mul3A_281 = arith.mulf %max3A_275, %get3A_280 : vector<16xf32>
      %add3A_282 = arith.addf %add3A_260, %mul3A_281 : vector<16xf32>
      %get3A_283 = arith.constant 10 : i32
      %get3A_284 = arith.index_cast %get3A_283 : i32 to index
      %get3A_285 = arith.constant 0 : index
      %get3A_286 = tpu.vector_load %arg21[%get3A_284, %get3A_285] {strides = array<i32>} : memref<16x16xf32, #tpu.memory_space<vmem>>, vector<1x16xf32>,
      %get3A_287 = vector.shape_cast %get3A_286 : vector<1x16xf32> to vector<16xf32>
      %mul3A_288 = arith.mulf %mul3A_62, %get3A_287 : vector<16xf32>
      %get3A_289 = arith.constant 10 : i32
      %get3A_290 = arith.index_cast %get3A_289 : i32 to index
      %get3A_291 = arith.constant 0 : index
      %get3A_292 = tpu.vector_load %arg22[%get3A_290, %get3A_291] {strides = array<i32>} : memref<16x16xf32, #tpu.memory_space<vmem>>, vector<1x16xf32>,
      %get3A_293 = vector.shape_cast %get3A_292 : vector<1x16xf32> to vector<16xf32>
      %add3A_294 = arith.addf %mul3A_288, %get3A_293 : vector<16xf32>
      %max3A_295 = arith.constant 0.000000e+00 : f32
      %max3A_296 = vector.broadcast %max3A_295 : f32 to vector<16xf32>
      %max3A_297 = arith.maximumf %add3A_294, %max3A_296 : vector<16xf32>
      %get3A_298 = arith.constant 10 : i32
      %get3A_299 = arith.index_cast %get3A_298 : i32 to index
      %get3A_300 = arith.constant 0 : index
      %get3A_301 = tpu.vector_load %arg23[%get3A_299, %get3A_300] {strides = array<i32>} : memref<16x16xf32, #tpu.memory_space<vmem>>, vector<1x16xf32>,
      %get3A_302 = vector.shape_cast %get3A_301 : vector<1x16xf32> to vector<16xf32>
      %mul3A_303 = arith.mulf %max3A_297, %get3A_302 : vector<16xf32>
      %add3A_304 = arith.addf %add3A_282, %mul3A_303 : vector<16xf32>
      %get3A_305 = arith.constant 11 : i32
      %get3A_306 = arith.index_cast %get3A_305 : i32 to index
      %get3A_307 = arith.constant 0 : index
      %get3A_308 = tpu.vector_load %arg21[%get3A_306, %get3A_307] {strides = array<i32>} : memref<16x16xf32, #tpu.memory_space<vmem>>, vector<1x16xf32>,
      %get3A_309 = vector.shape_cast %get3A_308 : vector<1x16xf32> to vector<16xf32>
      %mul3A_310 = arith.mulf %mul3A_62, %get3A_309 : vector<16xf32>
      %get3A_311 = arith.constant 11 : i32
      %get3A_312 = arith.index_cast %get3A_311 : i32 to index
      %get3A_313 = arith.constant 0 : index
      %get3A_314 = tpu.vector_load %arg22[%get3A_312, %get3A_313] {strides = array<i32>} : memref<16x16xf32, #tpu.memory_space<vmem>>, vector<1x16xf32>,
      %get3A_315 = vector.shape_cast %get3A_314 : vector<1x16xf32> to vector<16xf32>
      %add3A_316 = arith.addf %mul3A_310, %get3A_315 : vector<16xf32>
      %max3A_317 = arith.constant 0.000000e+00 : f32
      %max3A_318 = vector.broadcast %max3A_317 : f32 to vector<16xf32>
      %max3A_319 = arith.maximumf %add3A_316, %max3A_318 : vector<16xf32>
      %get3A_320 = arith.constant 11 : i32
      %get3A_321 = arith.index_cast %get3A_320 : i32 to index
      %get3A_322 = arith.constant 0 : index
      %get3A_323 = tpu.vector_load %arg23[%get3A_321, %get3A_322] {strides = array<i32>} : memref<16x16xf32, #tpu.memory_space<vmem>>, vector<1x16xf32>,
      %get3A_324 = vector.shape_cast %get3A_323 : vector<1x16xf32> to vector<16xf32>
      %mul3A_325 = arith.mulf %max3A_319, %get3A_324 : vector<16xf32>
      %add3A_326 = arith.addf %add3A_304, %mul3A_325 : vector<16xf32>
      %get3A_327 = arith.constant 12 : i32
      %get3A_328 = arith.index_cast %get3A_327 : i32 to index
      %get3A_329 = arith.constant 0 : index
      %get3A_330 = tpu.vector_load %arg21[%get3A_328, %get3A_329] {strides = array<i32>} : memref<16x16xf32, #tpu.memory_space<vmem>>, vector<1x16xf32>,
      %get3A_331 = vector.shape_cast %get3A_330 : vector<1x16xf32> to vector<16xf32>
      %mul3A_332 = arith.mulf %mul3A_62, %get3A_331 : vector<16xf32>
      %get3A_333 = arith.constant 12 : i32
      %get3A_334 = arith.index_cast %get3A_333 : i32 to index
      %get3A_335 = arith.constant 0 : index
      %get3A_336 = tpu.vector_load %arg22[%get3A_334, %get3A_335] {strides = array<i32>} : memref<16x16xf32, #tpu.memory_space<vmem>>, vector<1x16xf32>,
      %get3A_337 = vector.shape_cast %get3A_336 : vector<1x16xf32> to vector<16xf32>
      %add3A_338 = arith.addf %mul3A_332, %get3A_337 : vector<16xf32>
      %max3A_339 = arith.constant 0.000000e+00 : f32
      %max3A_340 = vector.broadcast %max3A_339 : f32 to vector<16xf32>
      %max3A_341 = arith.maximumf %add3A_338, %max3A_340 : vector<16xf32>
      %get3A_342 = arith.constant 12 : i32
      %get3A_343 = arith.index_cast %get3A_342 : i32 to index
      %get3A_344 = arith.constant 0 : index
      %get3A_345 = tpu.vector_load %arg23[%get3A_343, %get3A_344] {strides = array<i32>} : memref<16x16xf32, #tpu.memory_space<vmem>>, vector<1x16xf32>,
      %get3A_346 = vector.shape_cast %get3A_345 : vector<1x16xf32> to vector<16xf32>
      %mul3A_347 = arith.mulf %max3A_341, %get3A_346 : vector<16xf32>
      %add3A_348 = arith.addf %add3A_326, %mul3A_347 : vector<16xf32>
      %get3A_349 = arith.constant 13 : i32
      %get3A_350 = arith.index_cast %get3A_349 : i32 to index
      %get3A_351 = arith.constant 0 : index
      %get3A_352 = tpu.vector_load %arg21[%get3A_350, %get3A_351] {strides = array<i32>} : memref<16x16xf32, #tpu.memory_space<vmem>>, vector<1x16xf32>,
      %get3A_353 = vector.shape_cast %get3A_352 : vector<1x16xf32> to vector<16xf32>
      %mul3A_354 = arith.mulf %mul3A_62, %get3A_353 : vector<16xf32>
      %get3A_355 = arith.constant 13 : i32
      %get3A_356 = arith.index_cast %get3A_355 : i32 to index
      %get3A_357 = arith.constant 0 : index
      %get3A_358 = tpu.vector_load %arg22[%get3A_356, %get3A_357] {strides = array<i32>} : memref<16x16xf32, #tpu.memory_space<vmem>>, vector<1x16xf32>,
      %get3A_359 = vector.shape_cast %get3A_358 : vector<1x16xf32> to vector<16xf32>
      %add3A_360 = arith.addf %mul3A_354, %get3A_359 : vector<16xf32>
      %max3A_361 = arith.constant 0.000000e+00 : f32
      %max3A_362 = vector.broadcast %max3A_361 : f32 to vector<16xf32>
      %max3A_363 = arith.maximumf %add3A_360, %max3A_362 : vector<16xf32>
      %get3A_364 = arith.constant 13 : i32
      %get3A_365 = arith.index_cast %get3A_364 : i32 to index
      %get3A_366 = arith.constant 0 : index
      %get3A_367 = tpu.vector_load %arg23[%get3A_365, %get3A_366] {strides = array<i32>} : memref<16x16xf32, #tpu.memory_space<vmem>>, vector<1x16xf32>,
      %get3A_368 = vector.shape_cast %get3A_367 : vector<1x16xf32> to vector<16xf32>
      %mul3A_369 = arith.mulf %max3A_363, %get3A_368 : vector<16xf32>
      %add3A_370 = arith.addf %add3A_348, %mul3A_369 : vector<16xf32>
      %get3A_371 = arith.constant 14 : i32
      %get3A_372 = arith.index_cast %get3A_371 : i32 to index
      %get3A_373 = arith.constant 0 : index
      %get3A_374 = tpu.vector_load %arg21[%get3A_372, %get3A_373] {strides = array<i32>} : memref<16x16xf32, #tpu.memory_space<vmem>>, vector<1x16xf32>,
      %get3A_375 = vector.shape_cast %get3A_374 : vector<1x16xf32> to vector<16xf32>
      %mul3A_376 = arith.mulf %mul3A_62, %get3A_375 : vector<16xf32>
      %get3A_377 = arith.constant 14 : i32
      %get3A_378 = arith.index_cast %get3A_377 : i32 to index
      %get3A_379 = arith.constant 0 : index
      %get3A_380 = tpu.vector_load %arg22[%get3A_378, %get3A_379] {strides = array<i32>} : memref<16x16xf32, #tpu.memory_space<vmem>>, vector<1x16xf32>,
      %get3A_381 = vector.shape_cast %get3A_380 : vector<1x16xf32> to vector<16xf32>
      %add3A_382 = arith.addf %mul3A_376, %get3A_381 : vector<16xf32>
      %max3A_383 = arith.constant 0.000000e+00 : f32
      %max3A_384 = vector.broadcast %max3A_383 : f32 to vector<16xf32>
      %max3A_385 = arith.maximumf %add3A_382, %max3A_384 : vector<16xf32>
      %get3A_386 = arith.constant 14 : i32
      %get3A_387 = arith.index_cast %get3A_386 : i32 to index
      %get3A_388 = arith.constant 0 : index
      %get3A_389 = tpu.vector_load %arg23[%get3A_387, %get3A_388] {strides = array<i32>} : memref<16x16xf32, #tpu.memory_space<vmem>>, vector<1x16xf32>,
      %get3A_390 = vector.shape_cast %get3A_389 : vector<1x16xf32> to vector<16xf32>
      %mul3A_391 = arith.mulf %max3A_385, %get3A_390 : vector<16xf32>
      %add3A_392 = arith.addf %add3A_370, %mul3A_391 : vector<16xf32>
      %get3A_393 = arith.constant 15 : i32
      %get3A_394 = arith.index_cast %get3A_393 : i32 to index
      %get3A_395 = arith.constant 0 : index
      %get3A_396 = tpu.vector_load %arg21[%get3A_394, %get3A_395] {strides = array<i32>} : memref<16x16xf32, #tpu.memory_space<vmem>>, vector<1x16xf32>,
      %get3A_397 = vector.shape_cast %get3A_396 : vector<1x16xf32> to vector<16xf32>
      %mul3A_398 = arith.mulf %mul3A_62, %get3A_397 : vector<16xf32>
      %get3A_399 = arith.constant 15 : i32
      %get3A_400 = arith.index_cast %get3A_399 : i32 to index
      %get3A_401 = arith.constant 0 : index
      %get3A_402 = tpu.vector_load %arg22[%get3A_400, %get3A_401] {strides = array<i32>} : memref<16x16xf32, #tpu.memory_space<vmem>>, vector<1x16xf32>,
      %get3A_403 = vector.shape_cast %get3A_402 : vector<1x16xf32> to vector<16xf32>
      %add3A_404 = arith.addf %mul3A_398, %get3A_403 : vector<16xf32>
      %max3A_405 = arith.constant 0.000000e+00 : f32
      %max3A_406 = vector.broadcast %max3A_405 : f32 to vector<16xf32>
      %max3A_407 = arith.maximumf %add3A_404, %max3A_406 : vector<16xf32>
      %get3A_408 = arith.constant 15 : i32
      %get3A_409 = arith.index_cast %get3A_408 : i32 to index
      %get3A_410 = arith.constant 0 : index
      %get3A_411 = tpu.vector_load %arg23[%get3A_409, %get3A_410] {strides = array<i32>} : memref<16x16xf32, #tpu.memory_space<vmem>>, vector<1x16xf32>,
      %get3A_412 = vector.shape_cast %get3A_411 : vector<1x16xf32> to vector<16xf32>
      %mul3A_413 = arith.mulf %max3A_407, %get3A_412 : vector<16xf32>
      %add3A_414 = arith.addf %add3A_392, %mul3A_413 : vector<16xf32>
      %mul3A_415 = arith.mulf %get3A_49, %add3A_414 : vector<16xf32>
      %swap3A = arith.index_cast %mul3A_47 : i32 to index
      %swap3A_416 = tpu.vector_load %arg20[%swap3A] {strides = array<i32>} : memref<6272xf32, #tpu.memory_space<vmem>>, vector<16xf32>,
      %swap3A_417 = vector.shape_cast %swap3A_416 : vector<16xf32> to vector<16xf32>
      %swap3A_418 = vector.shape_cast %mul3A_415 : vector<16xf32> to vector<16xf32>
      tpu.vector_store %arg20[%swap3A], %swap3A_418 {strides = array<i32>} : memref<6272xf32, #tpu.memory_space<vmem>>, vector<16xf32>,
    }
    %scan3A_9 = arith.constant 392 : i32
    "tpu.region"() ({
      %run_scoped3A = tpu.sem_alloc : memref<!tpu.dma_semaphore, #tpu.memory_space<semaphore_mem>>
      %dma_start3A = tpu.memref_slice %arg24[%mul3A_2] : memref<100352xf32, #tpu.memory_space<vmem_shared>> -> memref<6272xf32, #tpu.memory_space<vmem_shared>>
      %dma_start3A_45 = tpu.memref_slice %arg24[%mul3A_2] : memref<100352xf32, #tpu.memory_space<vmem_shared>> -> memref<6272xf32, #tpu.memory_space<vmem_shared>>
      tpu.enqueue_dma source(%arg20 : memref<6272xf32, #tpu.memory_space<vmem>>) target(%dma_start3A_45 : memref<6272xf32, #tpu.memory_space<vmem_shared>>) target_semaphore(%run_scoped3A : memref<!tpu.dma_semaphore, #tpu.memory_space<semaphore_mem>>)
      %dma_wait3A = tpu.memref_slice %arg24[%mul3A_2] : memref<100352xf32, #tpu.memory_space<vmem_shared>> -> memref<6272xf32, #tpu.memory_space<vmem_shared>>
      %dma_wait3A_46 = tpu.memref_slice %arg24[%mul3A_2] : memref<100352xf32, #tpu.memory_space<vmem_shared>> -> memref<6272xf32, #tpu.memory_space<vmem_shared>>
      tpu.wait_dma2 semaphore(%run_scoped3A : memref<!tpu.dma_semaphore, #tpu.memory_space<semaphore_mem>>) src(%arg20 : memref<6272xf32, #tpu.memory_space<vmem>>) dst(%dma_wait3A_46 : memref<6272xf32, #tpu.memory_space<vmem_shared>>)
      tpu.yield
    }) : () -> ()
    %eq3A = arith.constant 0 : i32
    %eq3A_10 = arith.cmpi eq, %arg0, %eq3A : i32
    %convert_element_type3A = arith.extui %eq3A_10 : i1 to i32
    %cond3A = arith.constant 0 : i32
    %cond3A_11 = arith.cmpi ne, %convert_element_type3A, %cond3A : i32
    scf.if %cond3A_11 {
      "tpu.region"() ({
        %run_scoped3A = tpu.sem_alloc : memref<!tpu.dma_semaphore, #tpu.memory_space<semaphore_mem>>
        %dma_start3A = tpu.memref_slice %arg12[%mul3A_2] : memref<100352xf32, #tpu.memory_space<hbm>> -> memref<6272xf32, #tpu.memory_space<hbm>>
        %dma_start3A_45 = tpu.memref_slice %arg12[%mul3A_2] : memref<100352xf32, #tpu.memory_space<hbm>> -> memref<6272xf32, #tpu.memory_space<hbm>>
        tpu.enqueue_dma source(%arg20 : memref<6272xf32, #tpu.memory_space<vmem>>) target(%dma_start3A_45 : memref<6272xf32, #tpu.memory_space<hbm>>) target_semaphore(%run_scoped3A : memref<!tpu.dma_semaphore, #tpu.memory_space<semaphore_mem>>)
        %dma_wait3A = tpu.memref_slice %arg12[%mul3A_2] : memref<100352xf32, #tpu.memory_space<hbm>> -> memref<6272xf32, #tpu.memory_space<hbm>>
        %dma_wait3A_46 = tpu.memref_slice %arg12[%mul3A_2] : memref<100352xf32, #tpu.memory_space<hbm>> -> memref<6272xf32, #tpu.memory_space<hbm>>
        tpu.wait_dma2 semaphore(%run_scoped3A : memref<!tpu.dma_semaphore, #tpu.memory_space<semaphore_mem>>) src(%arg20 : memref<6272xf32, #tpu.memory_space<vmem>>) dst(%dma_wait3A_46 : memref<6272xf32, #tpu.memory_space<hbm>>)
        tpu.yield
      }) : () -> ()
    } else {
    }
    %barrier3A = arith.constant 0 : index
    tpu.barrier barrier_id(%barrier3A)
    %sub3A = arith.constant 249 : i32
    %sub3A_12 = arith.subi %sub3A, %add3A : i32
    %jit3A = arith.constant 32 : i32
    %div3A = arith.divsi %sub3A_12, %jit3A : i32
    %sign3A = arith.constant 0 : i32
    %sign3A_13 = arith.cmpi sgt, %sub3A_12, %sign3A : i32
    %sign3A_14 = arith.extui %sign3A_13 : i1 to i32
    %sign3A_15 = arith.constant 0 : i32
    %sign3A_16 = arith.cmpi slt, %sub3A_12, %sign3A_15 : i32
    %sign3A_17 = arith.extui %sign3A_16 : i1 to i32
    %sign3A_18 = arith.subi %sign3A_14, %sign3A_17 : i32
    %sign3A_19 = arith.constant 0 : i32
    %sign3A_20 = arith.cmpi sgt, %jit3A, %sign3A_19 : i32
    %sign3A_21 = arith.extui %sign3A_20 : i1 to i32
    %sign3A_22 = arith.constant 0 : i32
    %sign3A_23 = arith.cmpi slt, %jit3A, %sign3A_22 : i32
    %sign3A_24 = arith.extui %sign3A_23 : i1 to i32
    %sign3A_25 = arith.subi %sign3A_21, %sign3A_24 : i32
    %ne3A = arith.cmpi ne, %sign3A_18, %sign3A_25 : i32
    %rem3A = arith.remsi %sub3A_12, %jit3A : i32
    %ne3A_26 = arith.constant 0 : i32
    %ne3A_27 = arith.cmpi ne, %rem3A, %ne3A_26 : i32
    %and3A = arith.andi %ne3A, %ne3A_27 : i1
    %sub3A_28 = arith.constant 1 : i32
    %sub3A_29 = arith.subi %div3A, %sub3A_28 : i32
    %select_n3A = arith.select %and3A, %sub3A_29, %div3A : i32
    %add3A_30 = arith.constant 1 : i32
    %add3A_31 = arith.addi %select_n3A, %add3A_30 : i32
    %while3A = arith.constant 0 : i32
    %while3A_32 = arith.constant 0 : i32
    %while3A_33 = arith.subi %add3A_31, %while3A_32 : i32
    %while3A_34 = arith.addi %while3A_32, %while3A_33 : i32
    %while3A_35 = arith.constant 1 : i32
    %while3A_36 = arith.divsi %while3A_33, %while3A_35 : i32
    %while3A_37 = arith.muli %while3A_36, %while3A_35 : i32
    %while3A_38 = arith.addi %while3A_32, %while3A_37 : i32
    %while3A_39 = arith.constant 1 : i32
    scf.for %while3A_45 = %while3A_32 to %while3A_38 step %while3A_39  : i32 {
      %mul3A_46 = arith.constant 32 : i32
      %mul3A_47 = arith.muli %while3A_45, %mul3A_46 : i32
      %add3A_48 = arith.addi %add3A, %mul3A_47 : i32
      %mul3A_49 = arith.constant 100 : i32
      %mul3A_50 = arith.muli %add3A_48, %mul3A_49 : i32
      %mul3A_51 = arith.constant 128 : i32
      %mul3A_52 = arith.muli %mul3A_50, %mul3A_51 : i32
      "tpu.region"() ({
        %run_scoped3A = tpu.sem_alloc : memref<!tpu.dma_semaphore, #tpu.memory_space<semaphore_mem>>
        %dma_start3A = tpu.memref_slice %arg5[%mul3A_52] : memref<3200000xi32, #tpu.memory_space<hbm>> -> memref<12800xi32, #tpu.memory_space<hbm>>
        %dma_start3A_57 = tpu.memref_slice %arg5[%mul3A_52] : memref<3200000xi32, #tpu.memory_space<hbm>> -> memref<12800xi32, #tpu.memory_space<hbm>>
        tpu.enqueue_dma source(%dma_start3A_57 : memref<12800xi32, #tpu.memory_space<hbm>>) target(%arg13 : memref<12800xi32, #tpu.memory_space<vmem>>) target_semaphore(%run_scoped3A : memref<!tpu.dma_semaphore, #tpu.memory_space<semaphore_mem>>)
        %dma_wait3A = tpu.memref_slice %arg5[%mul3A_52] : memref<3200000xi32, #tpu.memory_space<hbm>> -> memref<12800xi32, #tpu.memory_space<hbm>>
        %dma_wait3A_58 = tpu.memref_slice %arg5[%mul3A_52] : memref<3200000xi32, #tpu.memory_space<hbm>> -> memref<12800xi32, #tpu.memory_space<hbm>>
        tpu.wait_dma2 semaphore(%run_scoped3A : memref<!tpu.dma_semaphore, #tpu.memory_space<semaphore_mem>>) src(%dma_wait3A_58 : memref<12800xi32, #tpu.memory_space<hbm>>) dst(%arg13 : memref<12800xi32, #tpu.memory_space<vmem>>)
        tpu.yield
      }) : () -> ()
      %mul3A_53 = arith.constant 100 : i32
      %mul3A_54 = arith.muli %add3A_48, %mul3A_53 : i32
      %mul3A_55 = arith.constant 128 : i32
      %mul3A_56 = arith.muli %mul3A_54, %mul3A_55 : i32
      "tpu.region"() ({
        %run_scoped3A = tpu.sem_alloc : memref<!tpu.dma_semaphore, #tpu.memory_space<semaphore_mem>>
        %dma_start3A = tpu.memref_slice %arg6[%mul3A_56] : memref<3200000xi32, #tpu.memory_space<hbm>> -> memref<12800xi32, #tpu.memory_space<hbm>>
        %dma_start3A_57 = tpu.memref_slice %arg6[%mul3A_56] : memref<3200000xi32, #tpu.memory_space<hbm>> -> memref<12800xi32, #tpu.memory_space<hbm>>
        tpu.enqueue_dma source(%dma_start3A_57 : memref<12800xi32, #tpu.memory_space<hbm>>) target(%arg14 : memref<12800xi32, #tpu.memory_space<vmem>>) target_semaphore(%run_scoped3A : memref<!tpu.dma_semaphore, #tpu.memory_space<semaphore_mem>>)
        %dma_wait3A = tpu.memref_slice %arg6[%mul3A_56] : memref<3200000xi32, #tpu.memory_space<hbm>> -> memref<12800xi32, #tpu.memory_space<hbm>>
        %dma_wait3A_58 = tpu.memref_slice %arg6[%mul3A_56] : memref<3200000xi32, #tpu.memory_space<hbm>> -> memref<12800xi32, #tpu.memory_space<hbm>>
        tpu.wait_dma2 semaphore(%run_scoped3A : memref<!tpu.dma_semaphore, #tpu.memory_space<semaphore_mem>>) src(%dma_wait3A_58 : memref<12800xi32, #tpu.memory_space<hbm>>) dst(%arg14 : memref<12800xi32, #tpu.memory_space<vmem>>)
        tpu.yield
      }) : () -> ()
      "tpu.region"() ({
        %run_scoped3A = tpu.sem_alloc : memref<!tpu.dma_semaphore, #tpu.memory_space<semaphore_mem>>
        %dma_start3A = arith.constant 0 : i32
        %dma_start3A_57 = tpu.memref_slice %arg24[%dma_start3A] : memref<100352xf32, #tpu.memory_space<vmem_shared>> -> memref<100352xf32, #tpu.memory_space<vmem_shared>>
        tpu.enqueue_indirect_dma source(%dma_start3A_57 : memref<100352xf32, #tpu.memory_space<vmem_shared>>) target(%arg15 : memref<12800xf32, #tpu.memory_space<vmem>>) offsets(%arg13 : memref<12800xi32, #tpu.memory_space<vmem>>) semaphore(%run_scoped3A : memref<!tpu.dma_semaphore, #tpu.memory_space<semaphore_mem>>)
        %dma_wait3A = arith.constant 0 : i32
        %dma_wait3A_58 = tpu.memref_slice %arg24[%dma_wait3A] : memref<100352xf32, #tpu.memory_space<vmem_shared>> -> memref<100352xf32, #tpu.memory_space<vmem_shared>>
        tpu.wait_indirect_dma semaphore(%run_scoped3A : memref<!tpu.dma_semaphore, #tpu.memory_space<semaphore_mem>>) src(%dma_wait3A_58 : memref<100352xf32, #tpu.memory_space<vmem_shared>>) dst(%arg15 : memref<12800xf32, #tpu.memory_space<vmem>>)
        tpu.yield
      }) : () -> ()
      "tpu.region"() ({
        %run_scoped3A = tpu.sem_alloc : memref<!tpu.dma_semaphore, #tpu.memory_space<semaphore_mem>>
        %dma_start3A = arith.constant 0 : i32
        %dma_start3A_57 = tpu.memref_slice %arg25[%dma_start3A] : memref<100352xf32, #tpu.memory_space<vmem_shared>> -> memref<100352xf32, #tpu.memory_space<vmem_shared>>
        tpu.enqueue_indirect_dma source(%arg15 : memref<12800xf32, #tpu.memory_space<vmem>>) target(%dma_start3A_57 : memref<100352xf32, #tpu.memory_space<vmem_shared>>) offsets(%arg14 : memref<12800xi32, #tpu.memory_space<vmem>>) semaphore(%run_scoped3A : memref<!tpu.dma_semaphore, #tpu.memory_space<semaphore_mem>>) {add = true}
        %dma_wait3A = arith.constant 0 : i32
        %dma_wait3A_58 = tpu.memref_slice %arg25[%dma_wait3A] : memref<100352xf32, #tpu.memory_space<vmem_shared>> -> memref<100352xf32, #tpu.memory_space<vmem_shared>>
        tpu.wait_indirect_dma semaphore(%run_scoped3A : memref<!tpu.dma_semaphore, #tpu.memory_space<semaphore_mem>>) src(%arg15 : memref<12800xf32, #tpu.memory_space<vmem>>) dst(%dma_wait3A_58 : memref<100352xf32, #tpu.memory_space<vmem_shared>>)
        tpu.yield
      }) : () -> ()
    }
    %while3A_40 = arith.constant 1 : i32
    scf.for %while3A_45 = %while3A_38 to %while3A_34 step %while3A_40  : i32 {
      %mul3A_46 = arith.constant 32 : i32
      %mul3A_47 = arith.muli %while3A_45, %mul3A_46 : i32
      %add3A_48 = arith.addi %add3A, %mul3A_47 : i32
      %mul3A_49 = arith.constant 100 : i32
      %mul3A_50 = arith.muli %add3A_48, %mul3A_49 : i32
      %mul3A_51 = arith.constant 128 : i32
      %mul3A_52 = arith.muli %mul3A_50, %mul3A_51 : i32
      "tpu.region"() ({
        %run_scoped3A = tpu.sem_alloc : memref<!tpu.dma_semaphore, #tpu.memory_space<semaphore_mem>>
        %dma_start3A = tpu.memref_slice %arg5[%mul3A_52] : memref<3200000xi32, #tpu.memory_space<hbm>> -> memref<12800xi32, #tpu.memory_space<hbm>>
        %dma_start3A_57 = tpu.memref_slice %arg5[%mul3A_52] : memref<3200000xi32, #tpu.memory_space<hbm>> -> memref<12800xi32, #tpu.memory_space<hbm>>
        tpu.enqueue_dma source(%dma_start3A_57 : memref<12800xi32, #tpu.memory_space<hbm>>) target(%arg13 : memref<12800xi32, #tpu.memory_space<vmem>>) target_semaphore(%run_scoped3A : memref<!tpu.dma_semaphore, #tpu.memory_space<semaphore_mem>>)
        %dma_wait3A = tpu.memref_slice %arg5[%mul3A_52] : memref<3200000xi32, #tpu.memory_space<hbm>> -> memref<12800xi32, #tpu.memory_space<hbm>>
        %dma_wait3A_58 = tpu.memref_slice %arg5[%mul3A_52] : memref<3200000xi32, #tpu.memory_space<hbm>> -> memref<12800xi32, #tpu.memory_space<hbm>>
        tpu.wait_dma2 semaphore(%run_scoped3A : memref<!tpu.dma_semaphore, #tpu.memory_space<semaphore_mem>>) src(%dma_wait3A_58 : memref<12800xi32, #tpu.memory_space<hbm>>) dst(%arg13 : memref<12800xi32, #tpu.memory_space<vmem>>)
        tpu.yield
      }) : () -> ()
      %mul3A_53 = arith.constant 100 : i32
      %mul3A_54 = arith.muli %add3A_48, %mul3A_53 : i32
      %mul3A_55 = arith.constant 128 : i32
      %mul3A_56 = arith.muli %mul3A_54, %mul3A_55 : i32
      "tpu.region"() ({
        %run_scoped3A = tpu.sem_alloc : memref<!tpu.dma_semaphore, #tpu.memory_space<semaphore_mem>>
        %dma_start3A = tpu.memref_slice %arg6[%mul3A_56] : memref<3200000xi32, #tpu.memory_space<hbm>> -> memref<12800xi32, #tpu.memory_space<hbm>>
        %dma_start3A_57 = tpu.memref_slice %arg6[%mul3A_56] : memref<3200000xi32, #tpu.memory_space<hbm>> -> memref<12800xi32, #tpu.memory_space<hbm>>
        tpu.enqueue_dma source(%dma_start3A_57 : memref<12800xi32, #tpu.memory_space<hbm>>) target(%arg14 : memref<12800xi32, #tpu.memory_space<vmem>>) target_semaphore(%run_scoped3A : memref<!tpu.dma_semaphore, #tpu.memory_space<semaphore_mem>>)
        %dma_wait3A = tpu.memref_slice %arg6[%mul3A_56] : memref<3200000xi32, #tpu.memory_space<hbm>> -> memref<12800xi32, #tpu.memory_space<hbm>>
        %dma_wait3A_58 = tpu.memref_slice %arg6[%mul3A_56] : memref<3200000xi32, #tpu.memory_space<hbm>> -> memref<12800xi32, #tpu.memory_space<hbm>>
        tpu.wait_dma2 semaphore(%run_scoped3A : memref<!tpu.dma_semaphore, #tpu.memory_space<semaphore_mem>>) src(%dma_wait3A_58 : memref<12800xi32, #tpu.memory_space<hbm>>) dst(%arg14 : memref<12800xi32, #tpu.memory_space<vmem>>)
        tpu.yield
      }) : () -> ()
      "tpu.region"() ({
        %run_scoped3A = tpu.sem_alloc : memref<!tpu.dma_semaphore, #tpu.memory_space<semaphore_mem>>
        %dma_start3A = arith.constant 0 : i32
        %dma_start3A_57 = tpu.memref_slice %arg24[%dma_start3A] : memref<100352xf32, #tpu.memory_space<vmem_shared>> -> memref<100352xf32, #tpu.memory_space<vmem_shared>>
        tpu.enqueue_indirect_dma source(%dma_start3A_57 : memref<100352xf32, #tpu.memory_space<vmem_shared>>) target(%arg15 : memref<12800xf32, #tpu.memory_space<vmem>>) offsets(%arg13 : memref<12800xi32, #tpu.memory_space<vmem>>) semaphore(%run_scoped3A : memref<!tpu.dma_semaphore, #tpu.memory_space<semaphore_mem>>)
        %dma_wait3A = arith.constant 0 : i32
        %dma_wait3A_58 = tpu.memref_slice %arg24[%dma_wait3A] : memref<100352xf32, #tpu.memory_space<vmem_shared>> -> memref<100352xf32, #tpu.memory_space<vmem_shared>>
        tpu.wait_indirect_dma semaphore(%run_scoped3A : memref<!tpu.dma_semaphore, #tpu.memory_space<semaphore_mem>>) src(%dma_wait3A_58 : memref<100352xf32, #tpu.memory_space<vmem_shared>>) dst(%arg15 : memref<12800xf32, #tpu.memory_space<vmem>>)
        tpu.yield
      }) : () -> ()
      "tpu.region"() ({
        %run_scoped3A = tpu.sem_alloc : memref<!tpu.dma_semaphore, #tpu.memory_space<semaphore_mem>>
        %dma_start3A = arith.constant 0 : i32
        %dma_start3A_57 = tpu.memref_slice %arg25[%dma_start3A] : memref<100352xf32, #tpu.memory_space<vmem_shared>> -> memref<100352xf32, #tpu.memory_space<vmem_shared>>
        tpu.enqueue_indirect_dma source(%arg15 : memref<12800xf32, #tpu.memory_space<vmem>>) target(%dma_start3A_57 : memref<100352xf32, #tpu.memory_space<vmem_shared>>) offsets(%arg14 : memref<12800xi32, #tpu.memory_space<vmem>>) semaphore(%run_scoped3A : memref<!tpu.dma_semaphore, #tpu.memory_space<semaphore_mem>>) {add = true}
        %dma_wait3A = arith.constant 0 : i32
        %dma_wait3A_58 = tpu.memref_slice %arg25[%dma_wait3A] : memref<100352xf32, #tpu.memory_space<vmem_shared>> -> memref<100352xf32, #tpu.memory_space<vmem_shared>>
        tpu.wait_indirect_dma semaphore(%run_scoped3A : memref<!tpu.dma_semaphore, #tpu.memory_space<semaphore_mem>>) src(%arg15 : memref<12800xf32, #tpu.memory_space<vmem>>) dst(%dma_wait3A_58 : memref<100352xf32, #tpu.memory_space<vmem_shared>>)
        tpu.yield
      }) : () -> ()
    }
    %barrier3A_41 = arith.constant 0 : index
    tpu.barrier barrier_id(%barrier3A_41)
    "tpu.region"() ({
      %run_scoped3A = tpu.sem_alloc : memref<!tpu.dma_semaphore, #tpu.memory_space<semaphore_mem>>
      %dma_start3A = tpu.memref_slice %arg25[%mul3A_2] : memref<100352xf32, #tpu.memory_space<vmem_shared>> -> memref<6272xf32, #tpu.memory_space<vmem_shared>>
      %dma_start3A_45 = tpu.memref_slice %arg25[%mul3A_2] : memref<100352xf32, #tpu.memory_space<vmem_shared>> -> memref<6272xf32, #tpu.memory_space<vmem_shared>>
      tpu.enqueue_dma source(%dma_start3A_45 : memref<6272xf32, #tpu.memory_space<vmem_shared>>) target(%arg20 : memref<6272xf32, #tpu.memory_space<vmem>>) target_semaphore(%run_scoped3A : memref<!tpu.dma_semaphore, #tpu.memory_space<semaphore_mem>>)
      %dma_wait3A = tpu.memref_slice %arg25[%mul3A_2] : memref<100352xf32, #tpu.memory_space<vmem_shared>> -> memref<6272xf32, #tpu.memory_space<vmem_shared>>
      %dma_wait3A_46 = tpu.memref_slice %arg25[%mul3A_2] : memref<100352xf32, #tpu.memory_space<vmem_shared>> -> memref<6272xf32, #tpu.memory_space<vmem_shared>>
      tpu.wait_dma2 semaphore(%run_scoped3A : memref<!tpu.dma_semaphore, #tpu.memory_space<semaphore_mem>>) src(%dma_wait3A_46 : memref<6272xf32, #tpu.memory_space<vmem_shared>>) dst(%arg20 : memref<6272xf32, #tpu.memory_space<vmem>>)
      tpu.yield
    }) : () -> ()
    %mul3A_42 = arith.constant 100352 : i32
    %mul3A_43 = arith.muli %arg0, %mul3A_42 : i32
    %add3A_44 = arith.addi %mul3A_43, %mul3A_2 : i32
    "tpu.region"() ({
      %run_scoped3A = tpu.sem_alloc : memref<!tpu.dma_semaphore, #tpu.memory_space<semaphore_mem>>
      %dma_start3A = tpu.memref_slice %arg11[%add3A_44] : memref<200704xf32, #tpu.memory_space<hbm>> -> memref<6272xf32, #tpu.memory_space<hbm>>
      %dma_start3A_45 = tpu.memref_slice %arg11[%add3A_44] : memref<200704xf32, #tpu.memory_space<hbm>> -> memref<6272xf32, #tpu.memory_space<hbm>>
      tpu.enqueue_dma source(%arg20 : memref<6272xf32, #tpu.memory_space<vmem>>) target(%dma_start3A_45 : memref<6272xf32, #tpu.memory_space<hbm>>) target_semaphore(%run_scoped3A : memref<!tpu.dma_semaphore, #tpu.memory_space<semaphore_mem>>)
      %dma_wait3A = tpu.memref_slice %arg11[%add3A_44] : memref<200704xf32, #tpu.memory_space<hbm>> -> memref<6272xf32, #tpu.memory_space<hbm>>
      %dma_wait3A_46 = tpu.memref_slice %arg11[%add3A_44] : memref<200704xf32, #tpu.memory_space<hbm>> -> memref<6272xf32, #tpu.memory_space<hbm>>
      tpu.wait_dma2 semaphore(%run_scoped3A : memref<!tpu.dma_semaphore, #tpu.memory_space<semaphore_mem>>) src(%arg20 : memref<6272xf32, #tpu.memory_space<vmem>>) dst(%dma_wait3A_46 : memref<6272xf32, #tpu.memory_space<hbm>>)
      tpu.yield
    }) : () -> ()
    return
  }
}

#map = affine_map<(d0, d1) -> (0)>
module attributes {stable_mosaic.version = 14 : i64} {
  func.func @_conv1_kernel(%arg0: i32, %arg1: i32, %arg2: memref<100352xf32, #tpu.memory_space<hbm>>, %arg3: memref<200704xf32, #tpu.memory_space<hbm>>, %arg4: memref<3200000xi32, #tpu.memory_space<hbm>>, %arg5: memref<3200000xi32, #tpu.memory_space<hbm>>, %arg6: memref<6272xf32, #tpu.memory_space<hbm>>, %arg7: memref<200704xf32, #tpu.memory_space<hbm>>, %arg8: memref<100352xf32, #tpu.memory_space<hbm>>, %arg9: memref<12800xi32, #tpu.memory_space<vmem>>, %arg10: memref<12800xi32, #tpu.memory_space<vmem>>, %arg11: memref<12800xf32, #tpu.memory_space<vmem>>, %arg12: memref<6272xf32, #tpu.memory_space<vmem>>, %arg13: memref<6272xf32, #tpu.memory_space<vmem>>, %arg14: memref<6272xf32, #tpu.memory_space<vmem>>, %arg15: memref<6272xf32, #tpu.memory_space<vmem>>, %arg16: memref<6272xf32, #tpu.memory_space<vmem>>, %arg17: memref<100352xf32, #tpu.memory_space<vmem_shared>>, %arg18: memref<100352xf32, #tpu.memory_space<vmem_shared>>) attributes {dimension_semantics = [#tpu.dimension_semantics<core_parallel>, #tpu.dimension_semantics<subcore_parallel>], iteration_bounds = array<i64: 2, 16>, scalar_prefetch = 0 : i64, scratch_operands = 10 : i64, tpu.core_type = #tpu.core_type<sc_vector_subcore>, window_params = [{transform_indices = #map}, {transform_indices = #map}, {transform_indices = #map}, {transform_indices = #map}, {transform_indices = #map}, {transform_indices = #map}, {transform_indices = #map}]} {
    %mul3A = arith.constant 2 : i32
    %mul3A_0 = arith.muli %arg1, %mul3A : i32
    %add3A = arith.addi %mul3A_0, %arg0 : i32
    %mul3A_1 = arith.constant 6272 : i32
    %mul3A_2 = arith.muli %arg1, %mul3A_1 : i32
    "tpu.region"() ({
      %run_scoped3A = tpu.sem_alloc : memref<!tpu.dma_semaphore, #tpu.memory_space<semaphore_mem>>
      tpu.enqueue_dma source(%arg6 : memref<6272xf32, #tpu.memory_space<hbm>>) target(%arg16 : memref<6272xf32, #tpu.memory_space<vmem>>) target_semaphore(%run_scoped3A : memref<!tpu.dma_semaphore, #tpu.memory_space<semaphore_mem>>)
      tpu.wait_dma2 semaphore(%run_scoped3A : memref<!tpu.dma_semaphore, #tpu.memory_space<semaphore_mem>>) src(%arg6 : memref<6272xf32, #tpu.memory_space<hbm>>) dst(%arg16 : memref<6272xf32, #tpu.memory_space<vmem>>)
      tpu.yield
    }) : () -> ()
    "tpu.region"() ({
      %run_scoped3A = tpu.sem_alloc : memref<!tpu.dma_semaphore, #tpu.memory_space<semaphore_mem>>
      %dma_start3A = tpu.memref_slice %arg18[%mul3A_2] : memref<100352xf32, #tpu.memory_space<vmem_shared>> -> memref<6272xf32, #tpu.memory_space<vmem_shared>>
      %dma_start3A_45 = tpu.memref_slice %arg18[%mul3A_2] : memref<100352xf32, #tpu.memory_space<vmem_shared>> -> memref<6272xf32, #tpu.memory_space<vmem_shared>>
      tpu.enqueue_dma source(%arg16 : memref<6272xf32, #tpu.memory_space<vmem>>) target(%dma_start3A_45 : memref<6272xf32, #tpu.memory_space<vmem_shared>>) target_semaphore(%run_scoped3A : memref<!tpu.dma_semaphore, #tpu.memory_space<semaphore_mem>>)
      %dma_wait3A = tpu.memref_slice %arg18[%mul3A_2] : memref<100352xf32, #tpu.memory_space<vmem_shared>> -> memref<6272xf32, #tpu.memory_space<vmem_shared>>
      %dma_wait3A_46 = tpu.memref_slice %arg18[%mul3A_2] : memref<100352xf32, #tpu.memory_space<vmem_shared>> -> memref<6272xf32, #tpu.memory_space<vmem_shared>>
      tpu.wait_dma2 semaphore(%run_scoped3A : memref<!tpu.dma_semaphore, #tpu.memory_space<semaphore_mem>>) src(%arg16 : memref<6272xf32, #tpu.memory_space<vmem>>) dst(%dma_wait3A_46 : memref<6272xf32, #tpu.memory_space<vmem_shared>>)
      tpu.yield
    }) : () -> ()
    "tpu.region"() ({
      %run_scoped3A = tpu.sem_alloc : memref<!tpu.dma_semaphore, #tpu.memory_space<semaphore_mem>>
      %dma_start3A = tpu.memref_slice %arg3[%mul3A_2] : memref<200704xf32, #tpu.memory_space<hbm>> -> memref<6272xf32, #tpu.memory_space<hbm>>
      %dma_start3A_45 = tpu.memref_slice %arg3[%mul3A_2] : memref<200704xf32, #tpu.memory_space<hbm>> -> memref<6272xf32, #tpu.memory_space<hbm>>
      tpu.enqueue_dma source(%dma_start3A_45 : memref<6272xf32, #tpu.memory_space<hbm>>) target(%arg12 : memref<6272xf32, #tpu.memory_space<vmem>>) target_semaphore(%run_scoped3A : memref<!tpu.dma_semaphore, #tpu.memory_space<semaphore_mem>>)
      %dma_wait3A = tpu.memref_slice %arg3[%mul3A_2] : memref<200704xf32, #tpu.memory_space<hbm>> -> memref<6272xf32, #tpu.memory_space<hbm>>
      %dma_wait3A_46 = tpu.memref_slice %arg3[%mul3A_2] : memref<200704xf32, #tpu.memory_space<hbm>> -> memref<6272xf32, #tpu.memory_space<hbm>>
      tpu.wait_dma2 semaphore(%run_scoped3A : memref<!tpu.dma_semaphore, #tpu.memory_space<semaphore_mem>>) src(%dma_wait3A_46 : memref<6272xf32, #tpu.memory_space<hbm>>) dst(%arg12 : memref<6272xf32, #tpu.memory_space<vmem>>)
      tpu.yield
    }) : () -> ()
    %add3A_3 = arith.constant 100352 : i32
    %add3A_4 = arith.addi %add3A_3, %mul3A_2 : i32
    "tpu.region"() ({
      %run_scoped3A = tpu.sem_alloc : memref<!tpu.dma_semaphore, #tpu.memory_space<semaphore_mem>>
      %dma_start3A = tpu.memref_slice %arg3[%add3A_4] : memref<200704xf32, #tpu.memory_space<hbm>> -> memref<6272xf32, #tpu.memory_space<hbm>>
      %dma_start3A_45 = tpu.memref_slice %arg3[%add3A_4] : memref<200704xf32, #tpu.memory_space<hbm>> -> memref<6272xf32, #tpu.memory_space<hbm>>
      tpu.enqueue_dma source(%dma_start3A_45 : memref<6272xf32, #tpu.memory_space<hbm>>) target(%arg13 : memref<6272xf32, #tpu.memory_space<vmem>>) target_semaphore(%run_scoped3A : memref<!tpu.dma_semaphore, #tpu.memory_space<semaphore_mem>>)
      %dma_wait3A = tpu.memref_slice %arg3[%add3A_4] : memref<200704xf32, #tpu.memory_space<hbm>> -> memref<6272xf32, #tpu.memory_space<hbm>>
      %dma_wait3A_46 = tpu.memref_slice %arg3[%add3A_4] : memref<200704xf32, #tpu.memory_space<hbm>> -> memref<6272xf32, #tpu.memory_space<hbm>>
      tpu.wait_dma2 semaphore(%run_scoped3A : memref<!tpu.dma_semaphore, #tpu.memory_space<semaphore_mem>>) src(%dma_wait3A_46 : memref<6272xf32, #tpu.memory_space<hbm>>) dst(%arg13 : memref<6272xf32, #tpu.memory_space<vmem>>)
      tpu.yield
    }) : () -> ()
    "tpu.region"() ({
      %run_scoped3A = tpu.sem_alloc : memref<!tpu.dma_semaphore, #tpu.memory_space<semaphore_mem>>
      %dma_start3A = tpu.memref_slice %arg2[%mul3A_2] : memref<100352xf32, #tpu.memory_space<hbm>> -> memref<6272xf32, #tpu.memory_space<hbm>>
      %dma_start3A_45 = tpu.memref_slice %arg2[%mul3A_2] : memref<100352xf32, #tpu.memory_space<hbm>> -> memref<6272xf32, #tpu.memory_space<hbm>>
      tpu.enqueue_dma source(%dma_start3A_45 : memref<6272xf32, #tpu.memory_space<hbm>>) target(%arg14 : memref<6272xf32, #tpu.memory_space<vmem>>) target_semaphore(%run_scoped3A : memref<!tpu.dma_semaphore, #tpu.memory_space<semaphore_mem>>)
      %dma_wait3A = tpu.memref_slice %arg2[%mul3A_2] : memref<100352xf32, #tpu.memory_space<hbm>> -> memref<6272xf32, #tpu.memory_space<hbm>>
      %dma_wait3A_46 = tpu.memref_slice %arg2[%mul3A_2] : memref<100352xf32, #tpu.memory_space<hbm>> -> memref<6272xf32, #tpu.memory_space<hbm>>
      tpu.wait_dma2 semaphore(%run_scoped3A : memref<!tpu.dma_semaphore, #tpu.memory_space<semaphore_mem>>) src(%dma_wait3A_46 : memref<6272xf32, #tpu.memory_space<hbm>>) dst(%arg14 : memref<6272xf32, #tpu.memory_space<vmem>>)
      tpu.yield
    }) : () -> ()
    %scan3A = arith.constant 0 : i32
    %scan3A_5 = arith.constant 0 : i32
    %scan3A_6 = arith.constant 392 : i32
    %scan3A_7 = arith.addi %scan3A_5, %scan3A_6 : i32
    %scan3A_8 = arith.constant 1 : i32
    scf.for %scan3A_45 = %scan3A_5 to %scan3A_7 step %scan3A_8  : i32 {
      %mul3A_46 = arith.constant 16 : i32
      %mul3A_47 = arith.muli %scan3A_45, %mul3A_46 : i32
      %get3A = arith.index_cast %mul3A_47 : i32 to index
      %get3A_48 = tpu.vector_load %arg12[%get3A] {strides = array<i32>} : memref<6272xf32, #tpu.memory_space<vmem>>, vector<16xf32>,
      %get3A_49 = vector.shape_cast %get3A_48 : vector<16xf32> to vector<16xf32>
      %get3A_50 = arith.index_cast %mul3A_47 : i32 to index
      %get3A_51 = tpu.vector_load %arg13[%get3A_50] {strides = array<i32>} : memref<6272xf32, #tpu.memory_space<vmem>>, vector<16xf32>,
      %get3A_52 = vector.shape_cast %get3A_51 : vector<16xf32> to vector<16xf32>
      %add3A_53 = arith.addf %get3A_49, %get3A_52 : vector<16xf32>
      %add3A_54 = arith.constant 1.000000e+00 : f32
      %add3A_55 = vector.broadcast %add3A_54 : f32 to vector<16xf32>
      %add3A_56 = arith.addf %add3A_53, %add3A_55 : vector<16xf32>
      %bitcast_convert_type3A = tpu.bitcast %add3A_56 : vector<16xf32> -> vector<16xi32>
      %shift_right_arithmetic3A = arith.constant 1 : i32
      %shift_right_arithmetic3A_57 = vector.broadcast %shift_right_arithmetic3A : i32 to vector<16xi32>
      %shift_right_arithmetic3A_58 = arith.shrsi %bitcast_convert_type3A, %shift_right_arithmetic3A_57 : vector<16xi32>
      %sub3A_59 = arith.constant 1597463007 : i32
      %sub3A_60 = vector.broadcast %sub3A_59 : i32 to vector<16xi32>
      %sub3A_61 = arith.subi %sub3A_60, %shift_right_arithmetic3A_58 : vector<16xi32>
      %bitcast_convert_type3A_62 = tpu.bitcast %sub3A_61 : vector<16xi32> -> vector<16xf32>
      %mul3A_63 = arith.constant 5.000000e-01 : f32
      %mul3A_64 = vector.broadcast %mul3A_63 : f32 to vector<16xf32>
      %mul3A_65 = arith.mulf %mul3A_64, %add3A_56 : vector<16xf32>
      %mul3A_66 = arith.mulf %mul3A_65, %bitcast_convert_type3A_62 : vector<16xf32>
      %mul3A_67 = arith.mulf %mul3A_66, %bitcast_convert_type3A_62 : vector<16xf32>
      %sub3A_68 = arith.constant 1.500000e+00 : f32
      %sub3A_69 = vector.broadcast %sub3A_68 : f32 to vector<16xf32>
      %sub3A_70 = arith.subf %sub3A_69, %mul3A_67 : vector<16xf32>
      %mul3A_71 = arith.mulf %bitcast_convert_type3A_62, %sub3A_70 : vector<16xf32>
      %mul3A_72 = arith.constant 5.000000e-01 : f32
      %mul3A_73 = vector.broadcast %mul3A_72 : f32 to vector<16xf32>
      %mul3A_74 = arith.mulf %mul3A_73, %add3A_56 : vector<16xf32>
      %mul3A_75 = arith.mulf %mul3A_74, %mul3A_71 : vector<16xf32>
      %mul3A_76 = arith.mulf %mul3A_75, %mul3A_71 : vector<16xf32>
      %sub3A_77 = arith.constant 1.500000e+00 : f32
      %sub3A_78 = vector.broadcast %sub3A_77 : f32 to vector<16xf32>
      %sub3A_79 = arith.subf %sub3A_78, %mul3A_76 : vector<16xf32>
      %mul3A_80 = arith.mulf %mul3A_71, %sub3A_79 : vector<16xf32>
      %mul3A_81 = arith.constant 5.000000e-01 : f32
      %mul3A_82 = vector.broadcast %mul3A_81 : f32 to vector<16xf32>
      %mul3A_83 = arith.mulf %mul3A_82, %add3A_56 : vector<16xf32>
      %mul3A_84 = arith.mulf %mul3A_83, %mul3A_80 : vector<16xf32>
      %mul3A_85 = arith.mulf %mul3A_84, %mul3A_80 : vector<16xf32>
      %sub3A_86 = arith.constant 1.500000e+00 : f32
      %sub3A_87 = vector.broadcast %sub3A_86 : f32 to vector<16xf32>
      %sub3A_88 = arith.subf %sub3A_87, %mul3A_85 : vector<16xf32>
      %mul3A_89 = arith.mulf %mul3A_80, %sub3A_88 : vector<16xf32>
      %swap3A = arith.index_cast %mul3A_47 : i32 to index
      %swap3A_90 = tpu.vector_load %arg15[%swap3A] {strides = array<i32>} : memref<6272xf32, #tpu.memory_space<vmem>>, vector<16xf32>,
      %swap3A_91 = vector.shape_cast %swap3A_90 : vector<16xf32> to vector<16xf32>
      %swap3A_92 = vector.shape_cast %mul3A_89 : vector<16xf32> to vector<16xf32>
      tpu.vector_store %arg15[%swap3A], %swap3A_92 {strides = array<i32>} : memref<6272xf32, #tpu.memory_space<vmem>>, vector<16xf32>,
      %get3A_93 = arith.index_cast %mul3A_47 : i32 to index
      %get3A_94 = tpu.vector_load %arg14[%get3A_93] {strides = array<i32>} : memref<6272xf32, #tpu.memory_space<vmem>>, vector<16xf32>,
      %get3A_95 = vector.shape_cast %get3A_94 : vector<16xf32> to vector<16xf32>
      %mul3A_96 = arith.mulf %mul3A_89, %get3A_95 : vector<16xf32>
      %swap3A_97 = arith.index_cast %mul3A_47 : i32 to index
      %swap3A_98 = tpu.vector_load %arg16[%swap3A_97] {strides = array<i32>} : memref<6272xf32, #tpu.memory_space<vmem>>, vector<16xf32>,
      %swap3A_99 = vector.shape_cast %swap3A_98 : vector<16xf32> to vector<16xf32>
      %swap3A_100 = vector.shape_cast %mul3A_96 : vector<16xf32> to vector<16xf32>
      tpu.vector_store %arg16[%swap3A_97], %swap3A_100 {strides = array<i32>} : memref<6272xf32, #tpu.memory_space<vmem>>, vector<16xf32>,
    }
    %scan3A_9 = arith.constant 392 : i32
    "tpu.region"() ({
      %run_scoped3A = tpu.sem_alloc : memref<!tpu.dma_semaphore, #tpu.memory_space<semaphore_mem>>
      %dma_start3A = tpu.memref_slice %arg17[%mul3A_2] : memref<100352xf32, #tpu.memory_space<vmem_shared>> -> memref<6272xf32, #tpu.memory_space<vmem_shared>>
      %dma_start3A_45 = tpu.memref_slice %arg17[%mul3A_2] : memref<100352xf32, #tpu.memory_space<vmem_shared>> -> memref<6272xf32, #tpu.memory_space<vmem_shared>>
      tpu.enqueue_dma source(%arg16 : memref<6272xf32, #tpu.memory_space<vmem>>) target(%dma_start3A_45 : memref<6272xf32, #tpu.memory_space<vmem_shared>>) target_semaphore(%run_scoped3A : memref<!tpu.dma_semaphore, #tpu.memory_space<semaphore_mem>>)
      %dma_wait3A = tpu.memref_slice %arg17[%mul3A_2] : memref<100352xf32, #tpu.memory_space<vmem_shared>> -> memref<6272xf32, #tpu.memory_space<vmem_shared>>
      %dma_wait3A_46 = tpu.memref_slice %arg17[%mul3A_2] : memref<100352xf32, #tpu.memory_space<vmem_shared>> -> memref<6272xf32, #tpu.memory_space<vmem_shared>>
      tpu.wait_dma2 semaphore(%run_scoped3A : memref<!tpu.dma_semaphore, #tpu.memory_space<semaphore_mem>>) src(%arg16 : memref<6272xf32, #tpu.memory_space<vmem>>) dst(%dma_wait3A_46 : memref<6272xf32, #tpu.memory_space<vmem_shared>>)
      tpu.yield
    }) : () -> ()
    %eq3A = arith.constant 0 : i32
    %eq3A_10 = arith.cmpi eq, %arg0, %eq3A : i32
    %convert_element_type3A = arith.extui %eq3A_10 : i1 to i32
    %cond3A = arith.constant 0 : i32
    %cond3A_11 = arith.cmpi ne, %convert_element_type3A, %cond3A : i32
    scf.if %cond3A_11 {
      "tpu.region"() ({
        %run_scoped3A = tpu.sem_alloc : memref<!tpu.dma_semaphore, #tpu.memory_space<semaphore_mem>>
        %dma_start3A = tpu.memref_slice %arg8[%mul3A_2] : memref<100352xf32, #tpu.memory_space<hbm>> -> memref<6272xf32, #tpu.memory_space<hbm>>
        %dma_start3A_45 = tpu.memref_slice %arg8[%mul3A_2] : memref<100352xf32, #tpu.memory_space<hbm>> -> memref<6272xf32, #tpu.memory_space<hbm>>
        tpu.enqueue_dma source(%arg15 : memref<6272xf32, #tpu.memory_space<vmem>>) target(%dma_start3A_45 : memref<6272xf32, #tpu.memory_space<hbm>>) target_semaphore(%run_scoped3A : memref<!tpu.dma_semaphore, #tpu.memory_space<semaphore_mem>>)
        %dma_wait3A = tpu.memref_slice %arg8[%mul3A_2] : memref<100352xf32, #tpu.memory_space<hbm>> -> memref<6272xf32, #tpu.memory_space<hbm>>
        %dma_wait3A_46 = tpu.memref_slice %arg8[%mul3A_2] : memref<100352xf32, #tpu.memory_space<hbm>> -> memref<6272xf32, #tpu.memory_space<hbm>>
        tpu.wait_dma2 semaphore(%run_scoped3A : memref<!tpu.dma_semaphore, #tpu.memory_space<semaphore_mem>>) src(%arg15 : memref<6272xf32, #tpu.memory_space<vmem>>) dst(%dma_wait3A_46 : memref<6272xf32, #tpu.memory_space<hbm>>)
        tpu.yield
      }) : () -> ()
    } else {
    }
    %barrier3A = arith.constant 0 : index
    tpu.barrier barrier_id(%barrier3A)
    %sub3A = arith.constant 249 : i32
    %sub3A_12 = arith.subi %sub3A, %add3A : i32
    %jit3A = arith.constant 32 : i32
    %div3A = arith.divsi %sub3A_12, %jit3A : i32
    %sign3A = arith.constant 0 : i32
    %sign3A_13 = arith.cmpi sgt, %sub3A_12, %sign3A : i32
    %sign3A_14 = arith.extui %sign3A_13 : i1 to i32
    %sign3A_15 = arith.constant 0 : i32
    %sign3A_16 = arith.cmpi slt, %sub3A_12, %sign3A_15 : i32
    %sign3A_17 = arith.extui %sign3A_16 : i1 to i32
    %sign3A_18 = arith.subi %sign3A_14, %sign3A_17 : i32
    %sign3A_19 = arith.constant 0 : i32
    %sign3A_20 = arith.cmpi sgt, %jit3A, %sign3A_19 : i32
    %sign3A_21 = arith.extui %sign3A_20 : i1 to i32
    %sign3A_22 = arith.constant 0 : i32
    %sign3A_23 = arith.cmpi slt, %jit3A, %sign3A_22 : i32
    %sign3A_24 = arith.extui %sign3A_23 : i1 to i32
    %sign3A_25 = arith.subi %sign3A_21, %sign3A_24 : i32
    %ne3A = arith.cmpi ne, %sign3A_18, %sign3A_25 : i32
    %rem3A = arith.remsi %sub3A_12, %jit3A : i32
    %ne3A_26 = arith.constant 0 : i32
    %ne3A_27 = arith.cmpi ne, %rem3A, %ne3A_26 : i32
    %and3A = arith.andi %ne3A, %ne3A_27 : i1
    %sub3A_28 = arith.constant 1 : i32
    %sub3A_29 = arith.subi %div3A, %sub3A_28 : i32
    %select_n3A = arith.select %and3A, %sub3A_29, %div3A : i32
    %add3A_30 = arith.constant 1 : i32
    %add3A_31 = arith.addi %select_n3A, %add3A_30 : i32
    %while3A = arith.constant 0 : i32
    %while3A_32 = arith.constant 0 : i32
    %while3A_33 = arith.subi %add3A_31, %while3A_32 : i32
    %while3A_34 = arith.addi %while3A_32, %while3A_33 : i32
    %while3A_35 = arith.constant 1 : i32
    %while3A_36 = arith.divsi %while3A_33, %while3A_35 : i32
    %while3A_37 = arith.muli %while3A_36, %while3A_35 : i32
    %while3A_38 = arith.addi %while3A_32, %while3A_37 : i32
    %while3A_39 = arith.constant 1 : i32
    scf.for %while3A_45 = %while3A_32 to %while3A_38 step %while3A_39  : i32 {
      %mul3A_46 = arith.constant 32 : i32
      %mul3A_47 = arith.muli %while3A_45, %mul3A_46 : i32
      %add3A_48 = arith.addi %add3A, %mul3A_47 : i32
      %mul3A_49 = arith.constant 100 : i32
      %mul3A_50 = arith.muli %add3A_48, %mul3A_49 : i32
      %mul3A_51 = arith.constant 128 : i32
      %mul3A_52 = arith.muli %mul3A_50, %mul3A_51 : i32
      "tpu.region"() ({
        %run_scoped3A = tpu.sem_alloc : memref<!tpu.dma_semaphore, #tpu.memory_space<semaphore_mem>>
        %dma_start3A = tpu.memref_slice %arg4[%mul3A_52] : memref<3200000xi32, #tpu.memory_space<hbm>> -> memref<12800xi32, #tpu.memory_space<hbm>>
        %dma_start3A_57 = tpu.memref_slice %arg4[%mul3A_52] : memref<3200000xi32, #tpu.memory_space<hbm>> -> memref<12800xi32, #tpu.memory_space<hbm>>
        tpu.enqueue_dma source(%dma_start3A_57 : memref<12800xi32, #tpu.memory_space<hbm>>) target(%arg9 : memref<12800xi32, #tpu.memory_space<vmem>>) target_semaphore(%run_scoped3A : memref<!tpu.dma_semaphore, #tpu.memory_space<semaphore_mem>>)
        %dma_wait3A = tpu.memref_slice %arg4[%mul3A_52] : memref<3200000xi32, #tpu.memory_space<hbm>> -> memref<12800xi32, #tpu.memory_space<hbm>>
        %dma_wait3A_58 = tpu.memref_slice %arg4[%mul3A_52] : memref<3200000xi32, #tpu.memory_space<hbm>> -> memref<12800xi32, #tpu.memory_space<hbm>>
        tpu.wait_dma2 semaphore(%run_scoped3A : memref<!tpu.dma_semaphore, #tpu.memory_space<semaphore_mem>>) src(%dma_wait3A_58 : memref<12800xi32, #tpu.memory_space<hbm>>) dst(%arg9 : memref<12800xi32, #tpu.memory_space<vmem>>)
        tpu.yield
      }) : () -> ()
      %mul3A_53 = arith.constant 100 : i32
      %mul3A_54 = arith.muli %add3A_48, %mul3A_53 : i32
      %mul3A_55 = arith.constant 128 : i32
      %mul3A_56 = arith.muli %mul3A_54, %mul3A_55 : i32
      "tpu.region"() ({
        %run_scoped3A = tpu.sem_alloc : memref<!tpu.dma_semaphore, #tpu.memory_space<semaphore_mem>>
        %dma_start3A = tpu.memref_slice %arg5[%mul3A_56] : memref<3200000xi32, #tpu.memory_space<hbm>> -> memref<12800xi32, #tpu.memory_space<hbm>>
        %dma_start3A_57 = tpu.memref_slice %arg5[%mul3A_56] : memref<3200000xi32, #tpu.memory_space<hbm>> -> memref<12800xi32, #tpu.memory_space<hbm>>
        tpu.enqueue_dma source(%dma_start3A_57 : memref<12800xi32, #tpu.memory_space<hbm>>) target(%arg10 : memref<12800xi32, #tpu.memory_space<vmem>>) target_semaphore(%run_scoped3A : memref<!tpu.dma_semaphore, #tpu.memory_space<semaphore_mem>>)
        %dma_wait3A = tpu.memref_slice %arg5[%mul3A_56] : memref<3200000xi32, #tpu.memory_space<hbm>> -> memref<12800xi32, #tpu.memory_space<hbm>>
        %dma_wait3A_58 = tpu.memref_slice %arg5[%mul3A_56] : memref<3200000xi32, #tpu.memory_space<hbm>> -> memref<12800xi32, #tpu.memory_space<hbm>>
        tpu.wait_dma2 semaphore(%run_scoped3A : memref<!tpu.dma_semaphore, #tpu.memory_space<semaphore_mem>>) src(%dma_wait3A_58 : memref<12800xi32, #tpu.memory_space<hbm>>) dst(%arg10 : memref<12800xi32, #tpu.memory_space<vmem>>)
        tpu.yield
      }) : () -> ()
      "tpu.region"() ({
        %run_scoped3A = tpu.sem_alloc : memref<!tpu.dma_semaphore, #tpu.memory_space<semaphore_mem>>
        %dma_start3A = arith.constant 0 : i32
        %dma_start3A_57 = tpu.memref_slice %arg17[%dma_start3A] : memref<100352xf32, #tpu.memory_space<vmem_shared>> -> memref<100352xf32, #tpu.memory_space<vmem_shared>>
        tpu.enqueue_indirect_dma source(%dma_start3A_57 : memref<100352xf32, #tpu.memory_space<vmem_shared>>) target(%arg11 : memref<12800xf32, #tpu.memory_space<vmem>>) offsets(%arg9 : memref<12800xi32, #tpu.memory_space<vmem>>) semaphore(%run_scoped3A : memref<!tpu.dma_semaphore, #tpu.memory_space<semaphore_mem>>)
        %dma_wait3A = arith.constant 0 : i32
        %dma_wait3A_58 = tpu.memref_slice %arg17[%dma_wait3A] : memref<100352xf32, #tpu.memory_space<vmem_shared>> -> memref<100352xf32, #tpu.memory_space<vmem_shared>>
        tpu.wait_indirect_dma semaphore(%run_scoped3A : memref<!tpu.dma_semaphore, #tpu.memory_space<semaphore_mem>>) src(%dma_wait3A_58 : memref<100352xf32, #tpu.memory_space<vmem_shared>>) dst(%arg11 : memref<12800xf32, #tpu.memory_space<vmem>>)
        tpu.yield
      }) : () -> ()
      "tpu.region"() ({
        %run_scoped3A = tpu.sem_alloc : memref<!tpu.dma_semaphore, #tpu.memory_space<semaphore_mem>>
        %dma_start3A = arith.constant 0 : i32
        %dma_start3A_57 = tpu.memref_slice %arg18[%dma_start3A] : memref<100352xf32, #tpu.memory_space<vmem_shared>> -> memref<100352xf32, #tpu.memory_space<vmem_shared>>
        tpu.enqueue_indirect_dma source(%arg11 : memref<12800xf32, #tpu.memory_space<vmem>>) target(%dma_start3A_57 : memref<100352xf32, #tpu.memory_space<vmem_shared>>) offsets(%arg10 : memref<12800xi32, #tpu.memory_space<vmem>>) semaphore(%run_scoped3A : memref<!tpu.dma_semaphore, #tpu.memory_space<semaphore_mem>>) {add = true}
        %dma_wait3A = arith.constant 0 : i32
        %dma_wait3A_58 = tpu.memref_slice %arg18[%dma_wait3A] : memref<100352xf32, #tpu.memory_space<vmem_shared>> -> memref<100352xf32, #tpu.memory_space<vmem_shared>>
        tpu.wait_indirect_dma semaphore(%run_scoped3A : memref<!tpu.dma_semaphore, #tpu.memory_space<semaphore_mem>>) src(%arg11 : memref<12800xf32, #tpu.memory_space<vmem>>) dst(%dma_wait3A_58 : memref<100352xf32, #tpu.memory_space<vmem_shared>>)
        tpu.yield
      }) : () -> ()
    }
    %while3A_40 = arith.constant 1 : i32
    scf.for %while3A_45 = %while3A_38 to %while3A_34 step %while3A_40  : i32 {
      %mul3A_46 = arith.constant 32 : i32
      %mul3A_47 = arith.muli %while3A_45, %mul3A_46 : i32
      %add3A_48 = arith.addi %add3A, %mul3A_47 : i32
      %mul3A_49 = arith.constant 100 : i32
      %mul3A_50 = arith.muli %add3A_48, %mul3A_49 : i32
      %mul3A_51 = arith.constant 128 : i32
      %mul3A_52 = arith.muli %mul3A_50, %mul3A_51 : i32
      "tpu.region"() ({
        %run_scoped3A = tpu.sem_alloc : memref<!tpu.dma_semaphore, #tpu.memory_space<semaphore_mem>>
        %dma_start3A = tpu.memref_slice %arg4[%mul3A_52] : memref<3200000xi32, #tpu.memory_space<hbm>> -> memref<12800xi32, #tpu.memory_space<hbm>>
        %dma_start3A_57 = tpu.memref_slice %arg4[%mul3A_52] : memref<3200000xi32, #tpu.memory_space<hbm>> -> memref<12800xi32, #tpu.memory_space<hbm>>
        tpu.enqueue_dma source(%dma_start3A_57 : memref<12800xi32, #tpu.memory_space<hbm>>) target(%arg9 : memref<12800xi32, #tpu.memory_space<vmem>>) target_semaphore(%run_scoped3A : memref<!tpu.dma_semaphore, #tpu.memory_space<semaphore_mem>>)
        %dma_wait3A = tpu.memref_slice %arg4[%mul3A_52] : memref<3200000xi32, #tpu.memory_space<hbm>> -> memref<12800xi32, #tpu.memory_space<hbm>>
        %dma_wait3A_58 = tpu.memref_slice %arg4[%mul3A_52] : memref<3200000xi32, #tpu.memory_space<hbm>> -> memref<12800xi32, #tpu.memory_space<hbm>>
        tpu.wait_dma2 semaphore(%run_scoped3A : memref<!tpu.dma_semaphore, #tpu.memory_space<semaphore_mem>>) src(%dma_wait3A_58 : memref<12800xi32, #tpu.memory_space<hbm>>) dst(%arg9 : memref<12800xi32, #tpu.memory_space<vmem>>)
        tpu.yield
      }) : () -> ()
      %mul3A_53 = arith.constant 100 : i32
      %mul3A_54 = arith.muli %add3A_48, %mul3A_53 : i32
      %mul3A_55 = arith.constant 128 : i32
      %mul3A_56 = arith.muli %mul3A_54, %mul3A_55 : i32
      "tpu.region"() ({
        %run_scoped3A = tpu.sem_alloc : memref<!tpu.dma_semaphore, #tpu.memory_space<semaphore_mem>>
        %dma_start3A = tpu.memref_slice %arg5[%mul3A_56] : memref<3200000xi32, #tpu.memory_space<hbm>> -> memref<12800xi32, #tpu.memory_space<hbm>>
        %dma_start3A_57 = tpu.memref_slice %arg5[%mul3A_56] : memref<3200000xi32, #tpu.memory_space<hbm>> -> memref<12800xi32, #tpu.memory_space<hbm>>
        tpu.enqueue_dma source(%dma_start3A_57 : memref<12800xi32, #tpu.memory_space<hbm>>) target(%arg10 : memref<12800xi32, #tpu.memory_space<vmem>>) target_semaphore(%run_scoped3A : memref<!tpu.dma_semaphore, #tpu.memory_space<semaphore_mem>>)
        %dma_wait3A = tpu.memref_slice %arg5[%mul3A_56] : memref<3200000xi32, #tpu.memory_space<hbm>> -> memref<12800xi32, #tpu.memory_space<hbm>>
        %dma_wait3A_58 = tpu.memref_slice %arg5[%mul3A_56] : memref<3200000xi32, #tpu.memory_space<hbm>> -> memref<12800xi32, #tpu.memory_space<hbm>>
        tpu.wait_dma2 semaphore(%run_scoped3A : memref<!tpu.dma_semaphore, #tpu.memory_space<semaphore_mem>>) src(%dma_wait3A_58 : memref<12800xi32, #tpu.memory_space<hbm>>) dst(%arg10 : memref<12800xi32, #tpu.memory_space<vmem>>)
        tpu.yield
      }) : () -> ()
      "tpu.region"() ({
        %run_scoped3A = tpu.sem_alloc : memref<!tpu.dma_semaphore, #tpu.memory_space<semaphore_mem>>
        %dma_start3A = arith.constant 0 : i32
        %dma_start3A_57 = tpu.memref_slice %arg17[%dma_start3A] : memref<100352xf32, #tpu.memory_space<vmem_shared>> -> memref<100352xf32, #tpu.memory_space<vmem_shared>>
        tpu.enqueue_indirect_dma source(%dma_start3A_57 : memref<100352xf32, #tpu.memory_space<vmem_shared>>) target(%arg11 : memref<12800xf32, #tpu.memory_space<vmem>>) offsets(%arg9 : memref<12800xi32, #tpu.memory_space<vmem>>) semaphore(%run_scoped3A : memref<!tpu.dma_semaphore, #tpu.memory_space<semaphore_mem>>)
        %dma_wait3A = arith.constant 0 : i32
        %dma_wait3A_58 = tpu.memref_slice %arg17[%dma_wait3A] : memref<100352xf32, #tpu.memory_space<vmem_shared>> -> memref<100352xf32, #tpu.memory_space<vmem_shared>>
        tpu.wait_indirect_dma semaphore(%run_scoped3A : memref<!tpu.dma_semaphore, #tpu.memory_space<semaphore_mem>>) src(%dma_wait3A_58 : memref<100352xf32, #tpu.memory_space<vmem_shared>>) dst(%arg11 : memref<12800xf32, #tpu.memory_space<vmem>>)
        tpu.yield
      }) : () -> ()
      "tpu.region"() ({
        %run_scoped3A = tpu.sem_alloc : memref<!tpu.dma_semaphore, #tpu.memory_space<semaphore_mem>>
        %dma_start3A = arith.constant 0 : i32
        %dma_start3A_57 = tpu.memref_slice %arg18[%dma_start3A] : memref<100352xf32, #tpu.memory_space<vmem_shared>> -> memref<100352xf32, #tpu.memory_space<vmem_shared>>
        tpu.enqueue_indirect_dma source(%arg11 : memref<12800xf32, #tpu.memory_space<vmem>>) target(%dma_start3A_57 : memref<100352xf32, #tpu.memory_space<vmem_shared>>) offsets(%arg10 : memref<12800xi32, #tpu.memory_space<vmem>>) semaphore(%run_scoped3A : memref<!tpu.dma_semaphore, #tpu.memory_space<semaphore_mem>>) {add = true}
        %dma_wait3A = arith.constant 0 : i32
        %dma_wait3A_58 = tpu.memref_slice %arg18[%dma_wait3A] : memref<100352xf32, #tpu.memory_space<vmem_shared>> -> memref<100352xf32, #tpu.memory_space<vmem_shared>>
        tpu.wait_indirect_dma semaphore(%run_scoped3A : memref<!tpu.dma_semaphore, #tpu.memory_space<semaphore_mem>>) src(%arg11 : memref<12800xf32, #tpu.memory_space<vmem>>) dst(%dma_wait3A_58 : memref<100352xf32, #tpu.memory_space<vmem_shared>>)
        tpu.yield
      }) : () -> ()
    }
    %barrier3A_41 = arith.constant 0 : index
    tpu.barrier barrier_id(%barrier3A_41)
    "tpu.region"() ({
      %run_scoped3A = tpu.sem_alloc : memref<!tpu.dma_semaphore, #tpu.memory_space<semaphore_mem>>
      %dma_start3A = tpu.memref_slice %arg18[%mul3A_2] : memref<100352xf32, #tpu.memory_space<vmem_shared>> -> memref<6272xf32, #tpu.memory_space<vmem_shared>>
      %dma_start3A_45 = tpu.memref_slice %arg18[%mul3A_2] : memref<100352xf32, #tpu.memory_space<vmem_shared>> -> memref<6272xf32, #tpu.memory_space<vmem_shared>>
      tpu.enqueue_dma source(%dma_start3A_45 : memref<6272xf32, #tpu.memory_space<vmem_shared>>) target(%arg16 : memref<6272xf32, #tpu.memory_space<vmem>>) target_semaphore(%run_scoped3A : memref<!tpu.dma_semaphore, #tpu.memory_space<semaphore_mem>>)
      %dma_wait3A = tpu.memref_slice %arg18[%mul3A_2] : memref<100352xf32, #tpu.memory_space<vmem_shared>> -> memref<6272xf32, #tpu.memory_space<vmem_shared>>
      %dma_wait3A_46 = tpu.memref_slice %arg18[%mul3A_2] : memref<100352xf32, #tpu.memory_space<vmem_shared>> -> memref<6272xf32, #tpu.memory_space<vmem_shared>>
      tpu.wait_dma2 semaphore(%run_scoped3A : memref<!tpu.dma_semaphore, #tpu.memory_space<semaphore_mem>>) src(%dma_wait3A_46 : memref<6272xf32, #tpu.memory_space<vmem_shared>>) dst(%arg16 : memref<6272xf32, #tpu.memory_space<vmem>>)
      tpu.yield
    }) : () -> ()
    %mul3A_42 = arith.constant 100352 : i32
    %mul3A_43 = arith.muli %arg0, %mul3A_42 : i32
    %add3A_44 = arith.addi %mul3A_43, %mul3A_2 : i32
    "tpu.region"() ({
      %run_scoped3A = tpu.sem_alloc : memref<!tpu.dma_semaphore, #tpu.memory_space<semaphore_mem>>
      %dma_start3A = tpu.memref_slice %arg7[%add3A_44] : memref<200704xf32, #tpu.memory_space<hbm>> -> memref<6272xf32, #tpu.memory_space<hbm>>
      %dma_start3A_45 = tpu.memref_slice %arg7[%add3A_44] : memref<200704xf32, #tpu.memory_space<hbm>> -> memref<6272xf32, #tpu.memory_space<hbm>>
      tpu.enqueue_dma source(%arg16 : memref<6272xf32, #tpu.memory_space<vmem>>) target(%dma_start3A_45 : memref<6272xf32, #tpu.memory_space<hbm>>) target_semaphore(%run_scoped3A : memref<!tpu.dma_semaphore, #tpu.memory_space<semaphore_mem>>)
      %dma_wait3A = tpu.memref_slice %arg7[%add3A_44] : memref<200704xf32, #tpu.memory_space<hbm>> -> memref<6272xf32, #tpu.memory_space<hbm>>
      %dma_wait3A_46 = tpu.memref_slice %arg7[%add3A_44] : memref<200704xf32, #tpu.memory_space<hbm>> -> memref<6272xf32, #tpu.memory_space<hbm>>
      tpu.wait_dma2 semaphore(%run_scoped3A : memref<!tpu.dma_semaphore, #tpu.memory_space<semaphore_mem>>) src(%arg16 : memref<6272xf32, #tpu.memory_space<vmem>>) dst(%dma_wait3A_46 : memref<6272xf32, #tpu.memory_space<hbm>>)
      tpu.yield
    }) : () -> ()
    return
  }
}

</mosaic_0001>

<sc_bundles>
// kernel: kernel.11.cloned.1.call-start
scs
__scs_entry_jumppad:
0x0: {  	(pc) =	sbr.rel $0x88, $3  }
0x1: {  	(tag) =	ssettag $0x0;
	lr =	simm.s32 $0x1  }
0x2: {  	[smem:$0x3F9B] =	sst lr;
	_ =	strace $0xD0000000  }
0x3: {  	_ = 	snop  }
0x4: {  	_ = 	snop  }
0x5: {  	_ = 	snop  }
0x6: {  	_ = 	snop  }
0x7: {  	_ = 	snop  }
__scs_overlays_trampoline_lowered:
0x8: {  	[smem:$0x3FAA] =	sst s0  }
0x9: {  	[smem:$0x3FAB] =	sst s1  }
0xa: {  	[smem:$0x3FAC] =	sst s2  }
0xb: {  	[smem:$0x3FAD] =	sst s3  }
0xc: {  	[smem:$0x3FAE] =	sst s4  }
0xd: {  	[smem:$0x3FAF] =	sst s5  }
0xe: {  	[smem:$0x3FB0] =	sst s6  }
0xf: {  	[smem:$0x3FB1] =	sst s7  }
0x10: {  	[smem:$0x3FB2] =	sst s8  }
0x11: {  	[smem:$0x3FB3] =	sst s9;
	s0 =	simm.s32 @!p0 $0x0  }
0x12: {  	s1 =	sld [smem:$0x3F99];
	s0 =	simm.s32 @p0 $0x1  }
0x13: {  	[smem:$0x3FB4] =	sst s0;
	s0 =	simm.s32 @!p1 $0x0  }
0x14: {  	s2 =	sld [smem:$0x3F98];
	s0 =	simm.s32 @p1 $0x1  }
0x15: {  	[smem:$0x3FB5] =	sst s0;
	s0 =	simm.s32 @!p2 $0x0  }
0x16: {  	s3 =	sld [smem:$0x3FDB];
	s0 =	simm.s32 @p2 $0x1  }
0x17: {  	s4 =	simm.s32 $0x1BF5;
	[smem:$0x3FB7] =	sst s0  }
0x18: {  	s0 =	sld [smem:$0x3F9A];
	_ =	swait.ge [sflag:s4], $0x0  }
0x19: {  	s7 =	sld [smem:$0x3F9B]  }
0x1a: {  	s8 =	sadd.s32 $0xFFFFE003, lr  }
0x1b: {  	s9 =	sadd.s32 $0xFFFFFEF7, lr;
	s5 =	simm.s32 $0xFFFFFFFF;
	p2 =	slt.u32 s8, $0xFFFFF086  }
0x1c: {  	p1 =	slt.u32 s9, $0xF7A;
	s5 =	simm.s32 @!p2 $0x0  }
0x1d: {  	s5 =	simm.s32 @p1 $0x1;
	p0 =	seq.s32 s7, s2  }
0x1e: {  	s7 =	smul.u32 @!p0 $0xF7A, s2;
	p2 =	seq.s32 @!p0 s5, $0x0  }
0x1f: {  	s9 =	smul.u32 $0xF7A, s1;
	s8 =	simm.s32 @!p0 $0x1BF5;
	p2 =	por !p2, p0  }
0x20: {  	[sflag:s8] =	ssyncset.s32 @!p0 $0xFFFFF086;
	s6 =	sadd.s32 @!p0 s3, s7;
	s7 =	simm.s32 @!p0 $0x108  }
0x21: {  	s3 =	sadd.s32 s3, s9;
	s6 =	sadd.s32 @!p0 $0x88, s6;
	s7 =	simm.s32 @p2 $0x1082  }
0x22: {  	[simem:s7], [sflag:s8] =	dma.local @!p0 [hbm:s6], $0xF7A  }
0x23: {  	s9 =	sor.u32 $0xD0000000, s2;
	s6 =	simm.s32 $0x108;
	_ =	swait.ge @!p0 [sflag:s8], $0x0  }
0x24: {  	s3 =	sadd.s32 $0x88, s3;
	s6 =	simm.s32 @!p1 $0x1082;
	[sflag:s4] =	ssyncset.s32 $0xFFFFF086  }
0x25: {  	[simem:s6], [sflag:s4] =	dma.local [hbm:s3], $0xF7A  }
0x26: {  	[smem:$0x3F9B] =	sst s1;
	(tag) =	ssettag s2;
	_ =	strace s9  }
0x27: {  	s1 =	sld [smem:$0x3FAB]  }
0x28: {  	s2 =	sld [smem:$0x3FAC]  }
0x29: {  	s4 =	sld [smem:$0x3FAE]  }
0x2a: {  	p0 =	seq.s32 s5, $0x0;
	s5 =	sld [smem:$0x3FAF]  }
0x2b: {  	s6 =	sld [smem:$0x3FB0]  }
0x2c: {  	s7 =	sld [smem:$0x3FB1]  }
0x2d: {  	s3 =	simm.s32 $0x108;
	s8 =	sld [smem:$0x3FB2]  }
0x2e: {  	s3 =	simm.s32 @!p0 $0x1082;
	s9 =	sld [smem:$0x3FB3]  }
0x2f: {  	lr =	sadd.s32 s0, s3;
	s0 =	sld [smem:$0x3FAA]  }
0x30: {  	s3 =	sld [smem:$0x3FAD]  }
0x31: {  	[smem:$0x3FB6] =	sst s10  }
0x32: {  	s10 =	sld [smem:$0x3FB4];
	_ =	sdelay $0x3  }
0x33: {  	p0 =	seq.s32 s10, $0x1;
	s10 =	sld [smem:$0x3FB6];
	_ =	sdelay $0x3  }
0x34: {  	[smem:$0x3FB6] =	sst s10  }
0x35: {  	s10 =	sld [smem:$0x3FB5];
	_ =	sdelay $0x3  }
0x36: {  	p1 =	seq.s32 s10, $0x1;
	s10 =	sld [smem:$0x3FB6];
	_ =	sdelay $0x3  }
0x37: {  	[smem:$0x3FB6] =	sst s10  }
0x38: {  	s10 =	sld [smem:$0x3FB7]  }
0x39: {  	_ = 	snop;
	(pc) =	sbr.ind lr, $3  }
0x3a: {  	_ = 	snop  }
0x3b: {  	_ = 	snop  }
0x3c: {  	p2 =	seq.s32 s10, $0x1;
	s10 =	sld [smem:$0x3FB6]  }
0x3d: {  	_ =	shalt  }
0x3e: {  	_ =	shalt  }
0x3f: {  	_ =	shalt  }
0x40: {  	_ =	shalt  }
0x41: {  	_ =	shalt  }
0x42: {  	_ =	shalt  }
0x43: {  	_ =	shalt  }
0x44: {  	_ =	shalt  }
0x45: {  	_ =	shalt  }
0x46: {  	_ =	shalt  }
0x47: {  	_ =	shalt  }
0x48: {  	_ =	shalt  }
0x49: {  	_ =	shalt  }
0x4a: {  	_ =	shalt  }
0x4b: {  	_ =	shalt  }
0x4c: {  	_ =	shalt  }
0x4d: {  	_ =	shalt  }
0x4e: {  	_ =	shalt  }
0x4f: {  	_ =	shalt  }
0x50: {  	_ =	shalt  }
0x51: {  	_ =	shalt  }
0x52: {  	_ =	shalt  }
0x53: {  	_ =	shalt  }
0x54: {  	_ =	shalt  }
0x55: {  	_ =	shalt  }
0x56: {  	_ =	shalt  }
0x57: {  	_ =	shalt  }
0x58: {  	_ =	shalt  }
0x59: {  	_ =	shalt  }
0x5a: {  	_ =	shalt  }
0x5b: {  	_ =	shalt  }
0x5c: {  	_ =	shalt  }
0x5d: {  	_ =	shalt  }
0x5e: {  	_ =	shalt  }
0x5f: {  	_ =	shalt  }
0x60: {  	_ =	shalt  }
0x61: {  	_ =	shalt  }
0x62: {  	_ =	shalt  }
0x63: {  	_ =	shalt  }
0x64: {  	_ =	shalt  }
0x65: {  	_ =	shalt  }
0x66: {  	_ =	shalt  }
0x67: {  	_ =	shalt  }
0x68: {  	_ =	shalt  }
0x69: {  	_ =	shalt  }
0x6a: {  	_ =	shalt  }
0x6b: {  	_ =	shalt  }
0x6c: {  	_ =	shalt  }
0x6d: {  	_ =	shalt  }
0x6e: {  	_ =	shalt  }
0x6f: {  	_ =	shalt  }
0x70: {  	_ =	shalt  }
0x71: {  	_ =	shalt  }
0x72: {  	_ =	shalt  }
0x73: {  	_ =	shalt  }
0x74: {  	_ =	shalt  }
0x75: {  	_ =	shalt  }
0x76: {  	_ =	shalt  }
0x77: {  	_ =	shalt  }
0x78: {  	_ =	shalt  }
0x79: {  	_ =	shalt  }
0x7a: {  	_ =	shalt  }
0x7b: {  	_ =	shalt  }
0x7c: {  	_ =	shalt  }
0x7d: {  	_ =	shalt  }
0x7e: {  	_ =	shalt  }
0x7f: {  	_ =	shalt  }
0x80: {  	_ =	shalt  }
0x81: {  	_ =	shalt  }
0x82: {  	_ =	shalt  }
0x83: {  	_ =	shalt  }
0x84: {  	_ =	shalt  }
0x85: {  	_ =	shalt  }
0x86: {  	_ =	shalt  }
0x87: {  	_ =	shalt  }
.Lfunc_end0:
.L_simem_size_0:
called_computation.2_lowered:
.L_overlay_start_0:
0x88: {  	s2 =	sld [smem:$0x3FD9]  }
0x89: {  	s3 =	sld [smem:$0x3FFE];
	_ =	sdelay $0x1  }
0x8a: {  	s1 =	srdreg.scid  }
0x8b: {  	s0 =	sand.u32 $0x1, s1  }
0x8c: {  	s17 =	sshll.u32 s0, $0xA;
	s2 =	sadd.s32 s3, s2  }
0x8d: {  	s2 =	sadd.s32 s2, s17  }
0x8e: {  	[smem:$0x3FC2] =	sst s2  }
0x8f: {  	_ = 	snop  }
0x90: {  	s2 =	sld [smem:$0x3FD0];
	(tm) =	ssettm $0x1  }
0x91: {  	s18 =	sld [smem:$0x3FFB];
	_ =	sdelay $0x3  }
0x92: {  	_ =	strace s18  }
0x93: {  	s3 =	sld [smem:$0x3FFC];
	_ =	sdelay $0x3  }
0x94: {  	_ =	strace s3  }
0x95: {  	s3 =	sld [smem:$0x3FFD];
	_ =	sdelay $0x3  }
0x96: {  	_ =	strace s3  }
0x97: {  	_ =	strace $0x8FFFFFFF  }
0x98: {  	s19 =	sld [smem:$0x3FDB];
	_ =	sdelay $0x1  }
0x99: {  	s4 =	simm.s32 $_scs_section_size  }
0x9a: {  	s5 =	simm.s32 $_size__tile_overlayer_lowered;
	s6 =	simm.s32 $_tile_overlayer_lowered  }
0x9b: {  	s22 =	simm.s32 $0x1BFF;
	s21 =	sshll.u32 s6, $0x1;
	s3 =	sadd.s32 s4, s19  }
0x9c: {  	s7 =	simm.s32 $0x0;
	s20 =	sshll.u32 s5, $0x1;
	s5 =	sadd.s32 s21, s3  }
0x9d: {  	[timem:s7], [sflag:s22] =	dma.local [hbm:s5], s20  }
0x9e: {  	_ =	swait.ge [sflag:s22], s20  }
0x9f: {  	s4 =	ssub.s32 $0x0, s20;
	[sflag:s22] =	ssyncset.done $0x0  }
0xa0: {  	[sflag:s22] =	ssyncadd.s32 s4;
	_ =	sdelay $0x1  }
0xa1: {  	s23 =	simm.s32 $0x1B8B  }
0xa2: {  	_ =	swait.ge [sflag:s23], $0x1  }
0xa3: {  	[sflag:s23] =	ssyncset.done $0x0  }
0xa4: {  	s25 =	simm.s32 $0x1B8E;
	s24 =	sld [smem:$0x3FFE];
	[sflag:s23] =	ssyncadd.s32 $0xFFFFFFFF  }
0xa5: {  	s26 =	simm.s32 $execute0_lowered;
	[smem:$0x3FD2] =	sst s25  }
0xa6: {  	s5 =	sshll.u32 s26, $0x1;
	_ =	strace $0x8000004C;
	[dreg:$0x1] =	wrdreg $0xFFFFFFFF  }
0xa7: {  	s28 =	simm.s32 $_size_execute0_lowered;
	s3 =	sadd.s32 s3, s5;
	[dreg:$0x0] =	wrdreg $0x0  }
0xa8: {  	s5 =	sshll.u32 s28, $0x1;
	[dreg:$0x2] =	wrdreg s3  }
0xa9: {  	[dreg:$0x3] =	wrdreg s5  }
0xaa: {  	[dreg:$0x4] =	wrdreg $0xC0  }
0xab: {  	_ =	task [dreg:s7], $0x5FFFF  }
0xac: {  	[dreg:$0x1] =	wrdreg $0xFFFFFFFF  }
0xad: {  	[dreg:$0x0] =	wrdreg $0x60  }
0xae: {  	[dreg:$0x2] =	wrdreg s24  }
0xaf: {  	[dreg:$0x3] =	wrdreg s2  }
0xb0: {  	[dreg:$0x4] =	wrdreg $0x141000  }
0xb1: {  	[dreg:$0x5] =	wrdreg $0x128800  }
0xb2: {  	[dreg:$0x6] =	wrdreg $0x9  }
0xb3: {  	_ =	task.clear_ibuf [dreg:s7], $0x7FFFF;
	_ =	strace $0x9000004C  }
0xb4: {  	s29 =	simm.s32 $0x9;
	_ =	strace $0x8000004E  }
0xb5: {  	_ =	swait.ge [sflag:s29], $0x1  }
0xb6: {  	[sflag:s29] =	ssyncadd.s32 $0xFFFFFFFF  }
0xb7: {  	_ =	strace $0x9000004E  }
0xb8: {  	_ =	sfence  }
0xb9: {  	s30 =	sld [smem:$0x0];
	_ =	sdelay $0x2  }
0xba: {  	s31 =	sshll.u32 s1, $0xD;
	s1 =	sshrl.u32 s1, $0x2  }
0xbb: {  	s3 =	sand.u32 $0x4000, s31;
	s1 =	sadd.s32 s1, s30  }
0xbc: {  	s0 =	sor.u32 s3, s0;
	s1 =	sshll.u32 s1, $0x11  }
0xbd: {  	s0 =	sor.u32 s1, s0  }
0xbe: {  	s0 =	sadd.s32 $0x8F2B, s0  }
0xbf: {  	[sflag:s0] =	ssyncadd.remote.s32 $0x1  }
0xc0: {  	_ =	sfence.sel $0xFFFF  }
0xc1: {  	[dreg:$0x0] =	wrdreg $0xFFFFFFFF;
	(pc) =	sbr.abs _section_cstart, $3  }
0xc2: {  	[dreg:$0x1] =	wrdreg $0xFFFFFFFF  }
0xc3: {  	_ =	task.clear_ibuf [dreg:s7], $0x2FFFF;
	_ =	strace $0x9FFFFFFF  }
0xc4: {  	(tm) =	ssettm $0x7FFFFFFF  }
0xc5: {  	_ =	shalt  }
tec
execute0_lowered:
.L_overlay_start_1:
0x0: {  	(tag) =	ssettag $0x1  }
0x1: {  	s0 =	rddreg [dreg:$0x0]  }
0x2: {  	s2 =	rddreg [dreg:$0x2]  }
0x3: {  	s4 =	rddreg [dreg:$0x3];
	s5 =	simm.s32 $0x0;
	s1 =	srdreg.scid  }
0x4: {  	s20 =	stileid.u32;
	s22 =	simm.s32 $0xF800;
	s23 =	simm.s32 $0x1  }
0x5: {  	s29 =	simm.s32 $0x11080;
	s30 =	simm.s32 $0x11880;
	s31 =	simm.s32 $0x12080  }
0x6: {  	[smem:$0x7FF] =	sst s5;
	s1 =	sand.u32 $0x1, s1;
	s3 =	smul.u32 $0x1880, s20  }
0x7: {  	s6 =	sadd.s32 $0x1A00, s0;
	s7 =	sadd.s32 $0x63600, s0;
	s8 =	sadd.s32 $0xC5200, s0  }
0x8: {  	s9 =	sadd.s32 $0xC5600, s0;
	s10 =	sadd.s32 $0xC5800, s0;
	s21 =	smul.u32 $0x6400, s20  }
0x9: {  	s17 =	sshll.u32 s20, $0x1;
	_ =	strace $0x8000004D;
	s11 =	smul.u32 $0x18800, s1  }
0xa: {  	s12 =	ssub.s32 $0x2, s1;
	s25 =	sor.u32 s17, s1;
	s28 =	smul.u32 $0x3200, s1  }
0xb: {  	p0 =	sne.s32 s1, $0x0;
	s1 =	simm.s32 $0x0;
	s13 =	sshrl.u32 s3, $0x3  }
0xc: {  	s14 =	sshrl.u32 s12, $0x1;
	s16 =	sadd.s32 s3, s4;
	s11 =	sadd.s32 s3, s11  }
0xd: {  	s26 =	ssub.s32 $0xF9, s25;
	s19 =	ssub.s32 s12, s14;
	s11 =	sshrl.u32 s11, $0x3  }
0xe: {  	s21 =	sadd.s32 s28, s21;
	s19 =	smax.u32 s19, $0x1;
	s18 =	sadd.s32 s11, s0  }
0xf: {  	s0 =	sadd.s32 s13, s0;
	s11 =	sadd.s32 s3, s2;
	s3 =	simm.s32 $0x6400  }
0x10: {  	s12 =	sadd.s32 $0xCEA00, s0;
	s13 =	sadd.s32 $0xD1B00, s0;
	s14 =	sadd.s32 $0xCB800, s0  }
0x11: {  	s15 =	sadd.s32 $0xD4C00, s0;
	s17 =	sadd.s32 $0xC5A00, s0;
	s0 =	sshrl.u32 s26, $0x5  }
0x12: {  	s18 =	sadd.s32 $0xD7E00, s18;
	s20 =	sxor.u32 $0xFFFFFFFF, s0;
	s0 =	simm.s32 $0x3200  }
.LBB2_1:
0x13: {  	[tilespmem:s22], [sflag:$0x1] =	stream.linear.gather [hbm4b:s8+s5], $0x1880, $0x38;
	[tilespmem:$0x15980] =	vst v63  }
0x14: {  	_ =	swait.ge [sflag:s23], $0x1880  }
0x15: {  	[sflag:s23] =	ssyncset.done $0x0  }
0x16: {  	[sflag:s23] =	ssyncadd.s32 $0xFFFFE780  }
0x17: {  	[spmem:s11] =	stream.linear.scatter [tilespmem:s22], [sflag:$0x1], $0x1880, $0x38;
	[tilespmem:$0x15980] =	vst v63  }
0x18: {  	_ =	swait.ge [sflag:s23], $0x1880  }
0x19: {  	[sflag:s23] =	ssyncset.done $0x0  }
0x1a: {  	s24 =	simm.s32 $0x9600;
	[sflag:s23] =	ssyncadd.s32 $0xFFFFE780  }
0x1b: {  	[tilespmem:s24], [sflag:$0x1] =	stream.linear.gather [hbm4b:s12+s5], $0x1880, $0x38;
	[tilespmem:$0x15980] =	vst v63  }
0x1c: {  	_ =	swait.ge [sflag:s23], $0x1880  }
0x1d: {  	[sflag:s23] =	ssyncset.done $0x0  }
0x1e: {  	s28 =	simm.s32 $0xAE80;
	[sflag:s23] =	ssyncadd.s32 $0xFFFFE780  }
0x1f: {  	[tilespmem:s28], [sflag:$0x1] =	stream.linear.gather [hbm4b:s13+s5], $0x1880, $0x38;
	[tilespmem:$0x15980] =	vst v63  }
0x20: {  	_ =	swait.ge [sflag:s23], $0x1880  }
0x21: {  	[sflag:s23] =	ssyncset.done $0x0  }
0x22: {  	s25 =	simm.s32 $0xC700;
	[sflag:s23] =	ssyncadd.s32 $0xFFFFE780  }
0x23: {  	[tilespmem:s25], [sflag:$0x1] =	stream.linear.gather [hbm4b:s14+s5], $0x1880, $0x38;
	[tilespmem:$0x15980] =	vst v63  }
0x24: {  	_ =	swait.ge [sflag:s23], $0x1880  }
0x25: {  	[sflag:s23] =	ssyncset.done $0x0  }
0x26: {  	s26 =	simm.s32 $0xDF80;
	[sflag:s23] =	ssyncadd.s32 $0xFFFFE780  }
0x27: {  	[tilespmem:s26], [sflag:$0x1] =	stream.linear.gather [hbm4b:s15+s5], $0x1880, $0x38;
	[tilespmem:$0x15980] =	vst v63  }
0x28: {  	_ =	swait.ge [sflag:s23], $0x1880  }
0x29: {  	[sflag:s23] =	ssyncset.done $0x0  }
0x2a: {  	[sflag:s23] =	ssyncadd.s32 $0xFFFFE780  }
0x2b: {  	s28 =	rddreg [dreg:$0x1]  }
0x2c: {  	[tilespmem:s29], [sflag:$0x1] =	stream.linear.gather [hbm4b:s28+s5], $0x800, $0x38;
	[tilespmem:$0x15980] =	vst v63  }
0x2d: {  	_ =	swait.ge [sflag:s23], $0x800  }
0x2e: {  	[sflag:s23] =	ssyncset.done $0x0  }
0x2f: {  	[sflag:s23] =	ssyncadd.s32 $0xFFFFF800  }
0x30: {  	[tilespmem:s30], [sflag:$0x1] =	stream.linear.gather [hbm4b:s9+s5], $0x800, $0x38;
	[tilespmem:$0x15980] =	vst v63  }
0x31: {  	_ =	swait.ge [sflag:s23], $0x800  }
0x32: {  	[sflag:s23] =	ssyncset.done $0x0  }
0x33: {  	[sflag:s23] =	ssyncadd.s32 $0xFFFFF800  }
0x34: {  	[tilespmem:s31], [sflag:$0x1] =	stream.linear.gather [hbm4b:s10+s5], $0x800, $0x38;
	[tilespmem:$0x15980] =	vst v63  }
0x35: {  	_ =	swait.ge [sflag:s23], $0x800  }
0x36: {  	[sflag:s23] =	ssyncset.done $0x0  }
0x37: {  	s24 =	simm.s32 $0x0;
	[sflag:s23] =	ssyncadd.s32 $0xFFFFF800  }
0x38: {  	v0 =	vld [tilespmem:s24+$0xDF80]  }
0x39: {  	v8 =	vld [tilespmem:s24+$0x9600]  }
0x3a: {  	v9 =	vld [tilespmem:s24+$0xAE80]  }
0x3b: {  	v10 =	vld [tilespmem:s24+$0xC700]  }
0x3c: {  	v1 =	vld [tilespmem:$0x12680]  }
0x3d: {  	v2 =	vld [tilespmem:$0x12600]  }
0x3e: {  	v3 =	vld [tilespmem:$0x12580]  }
0x3f: {  	v4 =	vld [tilespmem:$0x12500]  }
0x40: {  	v5 =	vld [tilespmem:$0x12480]  }
0x41: {  	v6 =	vld [tilespmem:$0x12400]  }
0x42: {  	s25 =	simm.s32 $0x40;
	v7 =	vld [tilespmem:$0x12380]  }
.LBB2_2:
0x43: {  	p1 =	sne.s32 s25, $0x61C0;
	v11 =	vld [tilespmem:$0x12300]  }
0x44: {  	v12 =	vld [tilespmem:$0x12280]  }
0x45: {  	v13 =	vld [tilespmem:$0x12200]  }
0x46: {  	v14 =	vld [tilespmem:$0x12180]  }
0x47: {  	v15 =	vld [tilespmem:$0x12100]  }
0x48: {  	v8 =	vadd.f32 v9, v8;
	v9 =	vmul.f32 v10, v0;
	v10 =	vld [tilespmem:$0x12080]  }
0x49: {  	v16 =	vld [tilespmem:$0x11080]  }
0x4a: {  	v8 =	vadd.f32 v9, v8;
	v9 =	vld [tilespmem:$0x11880]  }
0x4b: {  	v17 =	vld [tilespmem:$0x11100]  }
0x4c: {  	v8 =	vmul.f32 v8, v0;
	v18 =	vld [tilespmem:$0x11900]  }
0x4d: {  	v19 =	vld [tilespmem:$0x11180]  }
0x4e: {  	v16 =	vmul.f32 v8, v16;
	v20 =	vld [tilespmem:$0x11980]  }
0x4f: {  	v21 =	vld [tilespmem:$0x11200]  }
0x50: {  	v9 =	vadd.f32 v16, v9;
	v16 =	vmul.f32 v17, v8;
	v17 =	vld [tilespmem:$0x11A00]  }
0x51: {  	v22 =	vld [tilespmem:$0x11280]  }
0x52: {  	v9 =	vmax.f32 v9, $0.0e+00;
	v16 =	vadd.f32 v18, v16;
	v18 =	vmul.f32 v19, v8;
	v19 =	vld [tilespmem:$0x11A80]  }
0x53: {  	v9 =	vmul.f32 v9, v10;
	v10 =	vld [tilespmem:$0x11300]  }
0x54: {  	v16 =	vmax.f32 v16, $0.0e+00;
	v18 =	vadd.f32 v20, v18;
	v20 =	vmul.f32 v21, v8;
	v21 =	vld [tilespmem:$0x11B00]  }
0x55: {  	v9 =	vadd.f32 $0.0e+00, v9;
	v15 =	vmul.f32 v16, v15;
	v16 =	vld [tilespmem:$0x11380]  }
0x56: {  	v18 =	vmax.f32 v18, $0.0e+00;
	v17 =	vadd.f32 v17, v20;
	v20 =	vmul.f32 v22, v8;
	v22 =	vld [tilespmem:$0x11B80]  }
0x57: {  	v9 =	vadd.f32 v15, v9;
	v14 =	vmul.f32 v18, v14;
	v15 =	vld [tilespmem:$0x11400]  }
0x58: {  	v17 =	vmax.f32 v17, $0.0e+00;
	v18 =	vadd.f32 v19, v20;
	v10 =	vmul.f32 v10, v8;
	v19 =	vld [tilespmem:$0x11C00]  }
0x59: {  	v9 =	vadd.f32 v14, v9;
	v13 =	vmul.f32 v17, v13;
	v14 =	vld [tilespmem:$0x11480]  }
0x5a: {  	v17 =	vmax.f32 v18, $0.0e+00;
	v10 =	vadd.f32 v21, v10;
	v16 =	vmul.f32 v16, v8;
	v18 =	vld [tilespmem:$0x11C80]  }
0x5b: {  	v9 =	vadd.f32 v13, v9;
	v12 =	vmul.f32 v17, v12;
	v13 =	vld [tilespmem:$0x11500]  }
0x5c: {  	v10 =	vmax.f32 v10, $0.0e+00;
	v16 =	vadd.f32 v22, v16;
	v15 =	vmul.f32 v15, v8;
	v17 =	vld [tilespmem:$0x11D00]  }
0x5d: {  	v9 =	vadd.f32 v12, v9;
	v10 =	vmul.f32 v10, v11;
	v11 =	vld [tilespmem:$0x11580]  }
0x5e: {  	v12 =	vmax.f32 v16, $0.0e+00;
	v15 =	vadd.f32 v19, v15;
	v14 =	vmul.f32 v14, v8;
	v16 =	vld [tilespmem:$0x11D80]  }
0x5f: {  	v9 =	vadd.f32 v10, v9;
	v7 =	vmul.f32 v12, v7;
	v10 =	vld [tilespmem:$0x11600]  }
0x60: {  	v12 =	vmax.f32 v15, $0.0e+00;
	v14 =	vadd.f32 v18, v14;
	v13 =	vmul.f32 v13, v8;
	v15 =	vld [tilespmem:$0x11E00]  }
0x61: {  	v7 =	vadd.f32 v7, v9;
	v6 =	vmul.f32 v12, v6;
	v9 =	vld [tilespmem:$0x11680]  }
0x62: {  	v12 =	vmax.f32 v14, $0.0e+00;
	v13 =	vadd.f32 v17, v13;
	v11 =	vmul.f32 v11, v8;
	v14 =	vld [tilespmem:$0x11E80]  }
0x63: {  	v6 =	vadd.f32 v6, v7;
	v5 =	vmul.f32 v12, v5;
	v7 =	vld [tilespmem:$0x11700]  }
0x64: {  	v12 =	vmax.f32 v13, $0.0e+00;
	v11 =	vadd.f32 v16, v11;
	v10 =	vmul.f32 v10, v8;
	v13 =	vld [tilespmem:$0x11F00]  }
0x65: {  	v5 =	vadd.f32 v5, v6;
	v4 =	vmul.f32 v12, v4;
	v6 =	vld [tilespmem:$0x11780]  }
0x66: {  	v11 =	vmax.f32 v11, $0.0e+00;
	v10 =	vadd.f32 v15, v10;
	v9 =	vmul.f32 v9, v8;
	v12 =	vld [tilespmem:$0x11F80]  }
0x67: {  	v4 =	vadd.f32 v4, v5;
	v3 =	vmul.f32 v11, v3;
	v5 =	vld [tilespmem:$0x11800]  }
0x68: {  	v10 =	vmax.f32 v10, $0.0e+00;
	v9 =	vadd.f32 v14, v9;
	v7 =	vmul.f32 v7, v8;
	v11 =	vld [tilespmem:$0x12700]  }
0x69: {  	v3 =	vadd.f32 v3, v4;
	v2 =	vmul.f32 v10, v2;
	v4 =	vld [tilespmem:$0x12000]  }
0x6a: {  	v9 =	vmax.f32 v9, $0.0e+00;
	v7 =	vadd.f32 v13, v7;
	v6 =	vmul.f32 v6, v8;
	v10 =	vld [tilespmem:$0x12780]  }
0x6b: {  	v2 =	vadd.f32 v2, v3;
	v1 =	vmul.f32 v9, v1  }
0x6c: {  	v3 =	vmax.f32 v7, $0.0e+00;
	v6 =	vadd.f32 v12, v6;
	v5 =	vmul.f32 v5, v8;
	v7 =	vld [tilespmem:$0x12800]  }
0x6d: {  	v1 =	vadd.f32 v1, v2;
	v2 =	vmul.f32 v3, v11  }
0x6e: {  	v3 =	vmax.f32 v6, $0.0e+00;
	v4 =	vadd.f32 v4, v5  }
0x6f: {  	v1 =	vadd.f32 v2, v1;
	v2 =	vmul.f32 v3, v10  }
0x70: {  	v3 =	vmax.f32 v4, $0.0e+00  }
0x71: {  	v1 =	vadd.f32 v2, v1;
	v2 =	vmul.f32 v3, v7;
	_ =	sdelay $0x1  }
0x72: {  	s26 =	sshra.s32 s25, $0x2;
	v1 =	vadd.f32 v2, v1  }
0x73: {  	v3 =	vld [tilespmem:s26+$0xDF80]  }
0x74: {  	v8 =	vld [tilespmem:s26+$0x9600];
	v0 =	vmul.f32 v1, v0  }
0x75: {  	v9 =	vld [tilespmem:s26+$0xAE80]  }
0x76: {  	v10 =	vld [tilespmem:s26+$0xC700];
	[tilespmem:s24+$0xF800] =	vst v0;
	s24 =	smov.u32 s26  }
0x77: {  	v1 =	vld [tilespmem:$0x12680]  }
0x78: {  	v2 =	vld [tilespmem:$0x12600];
	v0 =	vmov v3  }
.Ltmp0:
0x79: {  	v3 =	vld [tilespmem:$0x12580];
	(pc) =	sbr.rel @p1 .LBB2_2-.Ltmp0, $4  }
0x7a: {  	v4 =	vld [tilespmem:$0x12500]  }
0x7b: {  	v5 =	vld [tilespmem:$0x12480]  }
0x7c: {  	v6 =	vld [tilespmem:$0x12400]  }
0x7d: {  	s25 =	sadd.s32 $0x40, s25;
	v7 =	vld [tilespmem:$0x12380]  }
0x7e: {  	v11 =	vld [tilespmem:$0x12300]  }
0x7f: {  	v12 =	vld [tilespmem:$0x12280]  }
0x80: {  	v13 =	vld [tilespmem:$0x12200]  }
0x81: {  	v14 =	vld [tilespmem:$0x12180]  }
0x82: {  	v15 =	vld [tilespmem:$0x12100]  }
0x83: {  	v8 =	vadd.f32 v9, v8;
	v57 =	vmul.f32 v10, v0;
	v58 =	vld [tilespmem:$0x12080]  }
0x84: {  	v16 =	vld [tilespmem:$0x11080]  }
0x85: {  	v59 =	vld [tilespmem:$0x11880];
	v8 =	vadd.f32 v57, v8  }
0x86: {  	v17 =	vld [tilespmem:$0x11100]  }
0x87: {  	v18 =	vld [tilespmem:$0x11900];
	v8 =	vmul.f32 v8, v0  }
0x88: {  	v19 =	vld [tilespmem:$0x11180]  }
0x89: {  	v20 =	vld [tilespmem:$0x11980];
	v16 =	vmul.f32 v8, v16  }
0x8a: {  	v21 =	vld [tilespmem:$0x11200]  }
0x8b: {  	v61 =	vld [tilespmem:$0x11A00];
	v60 =	vmul.f32 v17, v8;
	v9 =	vadd.f32 v16, v59  }
0x8c: {  	v22 =	vld [tilespmem:$0x11280]  }
0x8d: {  	v63 =	vld [tilespmem:$0x11A80];
	v62 =	vmul.f32 v19, v8;
	v16 =	vadd.f32 v18, v60;
	v9 =	vmax.f32 v9, $0.0e+00  }
0x8e: {  	v24 =	vld [tilespmem:$0x11300];
	v9 =	vmul.f32 v9, v58  }
0x8f: {  	v26 =	vld [tilespmem:$0x11B00];
	v25 =	vmul.f32 v21, v8;
	v18 =	vadd.f32 v20, v62;
	v16 =	vmax.f32 v16, $0.0e+00  }
0x90: {  	v27 =	vld [tilespmem:$0x11380];
	v15 =	vmul.f32 v16, v15;
	v9 =	vadd.f32 $0.0e+00, v9  }
0x91: {  	v29 =	vld [tilespmem:$0x11B80];
	v28 =	vmul.f32 v22, v8;
	v17 =	vadd.f32 v61, v25;
	v18 =	vmax.f32 v18, $0.0e+00  }
0x92: {  	v30 =	vld [tilespmem:$0x11400];
	v14 =	vmul.f32 v18, v14;
	v9 =	vadd.f32 v15, v9  }
0x93: {  	v32 =	vld [tilespmem:$0x11C00];
	v10 =	vmul.f32 v24, v8;
	v31 =	vadd.f32 v63, v28;
	v17 =	vmax.f32 v17, $0.0e+00  }
0x94: {  	v33 =	vld [tilespmem:$0x11480];
	v13 =	vmul.f32 v17, v13;
	v9 =	vadd.f32 v14, v9  }
0x95: {  	v35 =	vld [tilespmem:$0x11C80];
	v10 =	vadd.f32 v26, v10;
	v34 =	vmax.f32 v31, $0.0e+00;
	v16 =	vmul.f32 v27, v8  }
0x96: {  	v36 =	vld [tilespmem:$0x11500];
	v12 =	vmul.f32 v34, v12;
	v9 =	vadd.f32 v13, v9  }
0x97: {  	v37 =	vld [tilespmem:$0x11D00];
	v10 =	vmax.f32 v10, $0.0e+00;
	v16 =	vadd.f32 v29, v16;
	v15 =	vmul.f32 v30, v8  }
0x98: {  	v38 =	vld [tilespmem:$0x11580];
	v10 =	vmul.f32 v10, v11;
	v9 =	vadd.f32 v12, v9  }
0x99: {  	v40 =	vld [tilespmem:$0x11D80];
	v39 =	vmax.f32 v16, $0.0e+00;
	v15 =	vadd.f32 v32, v15;
	v14 =	vmul.f32 v33, v8  }
0x9a: {  	v41 =	vld [tilespmem:$0x11600];
	v7 =	vmul.f32 v39, v7;
	v9 =	vadd.f32 v10, v9  }
0x9b: {  	v43 =	vld [tilespmem:$0x11E00];
	v42 =	vmax.f32 v15, $0.0e+00;
	v14 =	vadd.f32 v35, v14;
	v13 =	vmul.f32 v36, v8  }
0x9c: {  	v44 =	vld [tilespmem:$0x11680];
	v6 =	vmul.f32 v42, v6;
	v7 =	vadd.f32 v7, v9  }
0x9d: {  	v46 =	vld [tilespmem:$0x11E80];
	v11 =	vmul.f32 v38, v8;
	v45 =	vmax.f32 v14, $0.0e+00;
	v13 =	vadd.f32 v37, v13  }
0x9e: {  	v47 =	vld [tilespmem:$0x11700];
	v5 =	vmul.f32 v45, v5;
	v6 =	vadd.f32 v6, v7  }
0x9f: {  	v49 =	vld [tilespmem:$0x11F00];
	v11 =	vadd.f32 v40, v11;
	v48 =	vmax.f32 v13, $0.0e+00;
	v10 =	vmul.f32 v41, v8  }
0xa0: {  	v50 =	vld [tilespmem:$0x11780];
	v4 =	vmul.f32 v48, v4;
	v5 =	vadd.f32 v5, v6  }
0xa1: {  	v51 =	vld [tilespmem:$0x11F80];
	v11 =	vmax.f32 v11, $0.0e+00;
	v10 =	vadd.f32 v43, v10;
	v9 =	vmul.f32 v44, v8  }
0xa2: {  	v52 =	vld [tilespmem:$0x11800];
	v3 =	vmul.f32 v11, v3;
	v4 =	vadd.f32 v4, v5  }
0xa3: {  	v53 =	vld [tilespmem:$0x12700];
	v10 =	vmax.f32 v10, $0.0e+00;
	v9 =	vadd.f32 v46, v9;
	v7 =	vmul.f32 v47, v8  }
0xa4: {  	v54 =	vld [tilespmem:$0x12000];
	v2 =	vmul.f32 v10, v2;
	v3 =	vadd.f32 v3, v4  }
0xa5: {  	v55 =	vld [tilespmem:$0x12780];
	v9 =	vmax.f32 v9, $0.0e+00;
	v7 =	vadd.f32 v49, v7;
	v6 =	vmul.f32 v50, v8  }
0xa6: {  	v1 =	vmul.f32 v9, v1;
	v2 =	vadd.f32 v2, v3  }
0xa7: {  	v57 =	vld [tilespmem:$0x12800];
	v56 =	vmax.f32 v7, $0.0e+00;
	v6 =	vadd.f32 v51, v6;
	v5 =	vmul.f32 v52, v8  }
0xa8: {  	v58 =	vmul.f32 v56, v53;
	v1 =	vadd.f32 v1, v2  }
0xa9: {  	v59 =	vmax.f32 v6, $0.0e+00;
	v4 =	vadd.f32 v54, v5  }
0xaa: {  	v60 =	vmul.f32 v59, v55;
	v1 =	vadd.f32 v58, v1  }
0xab: {  	v61 =	vmax.f32 v4, $0.0e+00  }
0xac: {  	v62 =	vmul.f32 v61, v57;
	v1 =	vadd.f32 v60, v1;
	_ =	sdelay $0x1  }
0xad: {  	v1 =	vadd.f32 v62, v1;
	_ =	sdelay $0x1  }
0xae: {  	v63 =	vmul.f32 v1, v0;
	_ =	sdelay $0x1  }
0xaf: {  	[tilespmem:s24+$0xF800] =	vst v63  }
0xb0: {  	[spmem:s16] =	stream.linear.scatter [tilespmem:s22], [sflag:$0x1], $0x1880, $0x38;
	[tilespmem:$0x15980] =	vst v63  }
0xb1: {  	_ =	swait.ge [sflag:s23], $0x1880  }
0xb2: {  	[sflag:s23] =	ssyncset.done $0x0  }
0xb3: {  	s25 =	simm.s32 @!p0 $0xF800;
	s24 =	simm.s32 @!p0 $0x0;
	[sflag:s23] =	ssyncadd.s32 $0xFFFFE780  }
0xb4: {  	[hbm4b:s17+s24] =	stream.linear.scatter @!p0 [tilespmem:s25], [sflag:$0x1], $0x1880, $0x38;
	[tilespmem:$0x15980] =	vst v63  }
0xb5: {  	s24 =	sadd.s32 $0x1, s20  }
0xb6: {  	s25 =	simm.s32 @!p0 $0x1;
	p2 =	seq.s32 s24, $0x0  }
.Ltmp1:
0xb7: {  	_ =	swait.ge @!p0 [sflag:s25], $0x1880;
	(pc) =	sbr.rel @p2 .LBB2_6-.Ltmp1, $4  }
0xb8: {  	[sflag:s25] =	ssyncset.done @!p0 $0x0  }
0xb9: {  	[sflag:s25] =	ssyncadd.s32 @!p0 $0xFFFFE780  }
0xba: {  	[bflag:$0x0] =	sbarrier.arrive $0xFFFF  }
0xbb: {  	s26 =	sshrl.u32 s21, $0x3;
	p1 =	por $0x0, $0x0  }
0xbc: {  	s25 =	sadd.s32 s6, s26  }
0xbd: {  	[tilespmem:s5], [sflag:$0x1] =	stream.linear.gather [hbm4b:s25+s5], $0x3200, $0x38;
	[tilespmem:$0x15980] =	vst v63  }
0xbe: {  	_ =	swait.ge [sflag:s23], $0x3200  }
0xbf: {  	[sflag:s23] =	ssyncset.done $0x0  }
0xc0: {  	s28 =	sadd.s32 s7, s26;
	[sflag:s23] =	ssyncadd.s32 $0xFFFFCE00  }
0xc1: {  	[tilespmem:s0], [sflag:$0x1] =	stream.linear.gather [hbm4b:s28+s5], $0x3200, $0x38;
	[tilespmem:$0x15980] =	vst v63  }
0xc2: {  	_ =	swait.ge [sflag:s23], $0x3200  }
0xc3: {  	[sflag:s23] =	ssyncset.done $0x0  }
0xc4: {  	s24 =	sadd.s32 $0x1, s24;
	[sflag:s23] =	ssyncadd.s32 $0xFFFFCE00  }
0xc5: {  	[tilespmem:s3], [sflag:$0x1] =	stream.indirect.gather [spmem:s4], $0x1, s5, s0, $0xb8;
	[tilespmem:$0x15980] =	vst v63  }
0xc6: {  	p2 =	seq.s32 s24, $0x0;
	_ =	swait.ge [sflag:s23], $0x3200  }
.Ltmp2:
0xc7: {  	[sflag:s23] =	ssyncset.done $0x0;
	(pc) =	sbr.rel @p2 .LBB2_6-.Ltmp2, $4  }
0xc8: {  	[sflag:s23] =	ssyncadd.s32 $0xFFFFCE00  }
0xc9: {  	[spmem:s2] =	stream.indirect.scatter.add.f32 [tilespmem:s3], [sflag:$0x1], $0x1, s0, s0, $0xb8;
	[tilespmem:$0x15980] =	vst v63  }
0xca: {  	s25 =	sadd.s32 $0x64000, s21;
	_ =	swait.ge [sflag:s23], $0x3200  }
0xcb: {  	p1 =	por $0x1, $0x1;
	s26 =	sshrl.u32 s25, $0x3;
	[sflag:s23] =	ssyncset.done $0x0  }
.LBB2_5:
0xcc: {  	s24 =	sadd.s32 $0x1, s24;
	s28 =	sadd.s32 s6, s26;
	[sflag:s23] =	ssyncadd.s32 $0xFFFFCE00  }
0xcd: {  	[tilespmem:s5], [sflag:$0x1] =	stream.linear.gather [hbm4b:s28+s5], $0x3200, $0x38;
	[tilespmem:$0x15980] =	vst v63  }
0xce: {  	p2 =	seq.s32 s24, $0x0;
	_ =	swait.ge [sflag:s23], $0x3200  }
0xcf: {  	[sflag:s23] =	ssyncset.done $0x0  }
0xd0: {  	s26 =	sadd.s32 s7, s26;
	[sflag:s23] =	ssyncadd.s32 $0xFFFFCE00  }
0xd1: {  	[tilespmem:s0], [sflag:$0x1] =	stream.linear.gather [hbm4b:s26+s5], $0x3200, $0x38;
	[tilespmem:$0x15980] =	vst v63  }
0xd2: {  	_ =	swait.ge [sflag:s23], $0x3200  }
0xd3: {  	[sflag:s23] =	ssyncset.done $0x0  }
0xd4: {  	[sflag:s23] =	ssyncadd.s32 $0xFFFFCE00  }
0xd5: {  	[tilespmem:s3], [sflag:$0x1] =	stream.indirect.gather [spmem:s4], $0x1, s5, s0, $0xb8;
	[tilespmem:$0x15980] =	vst v63  }
0xd6: {  	_ =	swait.ge [sflag:s23], $0x3200  }
.Ltmp3:
0xd7: {  	[sflag:s23] =	ssyncset.done $0x0;
	(pc) =	sbr.rel @!p2 .LBB2_5-.Ltmp3, $4  }
0xd8: {  	[sflag:s23] =	ssyncadd.s32 $0xFFFFCE00  }
0xd9: {  	[spmem:s2] =	stream.indirect.scatter.add.f32 [tilespmem:s3], [sflag:$0x1], $0x1, s0, s0, $0xb8;
	[tilespmem:$0x15980] =	vst v63  }
0xda: {  	s25 =	sadd.s32 $0x64000, s25;
	_ =	swait.ge [sflag:s23], $0x3200  }
0xdb: {  	s26 =	sshrl.u32 s25, $0x3;
	[sflag:s23] =	ssyncset.done $0x0  }
.LBB2_6:
0xdc: {  	s24 =	sadd.s32 s6, s26;
	[sflag:s23] =	ssyncadd.s32 @p1 $0xFFFFCE00  }
0xdd: {  	[tilespmem:s5], [sflag:$0x1] =	stream.linear.gather [hbm4b:s24+s5], $0x3200, $0x38;
	[tilespmem:$0x15980] =	vst v63  }
0xde: {  	_ =	swait.ge [sflag:s23], $0x3200  }
0xdf: {  	[sflag:s23] =	ssyncset.done $0x0  }
0xe0: {  	s28 =	sadd.s32 s7, s26;
	[sflag:s23] =	ssyncadd.s32 $0xFFFFCE00  }
0xe1: {  	[tilespmem:s0], [sflag:$0x1] =	stream.linear.gather [hbm4b:s28+s5], $0x3200, $0x38;
	[tilespmem:$0x15980] =	vst v63  }
0xe2: {  	_ =	swait.ge [sflag:s23], $0x3200  }
0xe3: {  	[sflag:s23] =	ssyncset.done $0x0  }
0xe4: {  	[sflag:s23] =	ssyncadd.s32 $0xFFFFCE00  }
0xe5: {  	[tilespmem:s3], [sflag:$0x1] =	stream.indirect.gather [spmem:s4], $0x1, s5, s0, $0xb8;
	[tilespmem:$0x15980] =	vst v63  }
0xe6: {  	_ =	swait.ge [sflag:s23], $0x3200  }
0xe7: {  	[sflag:s23] =	ssyncset.done $0x0  }
0xe8: {  	[sflag:s23] =	ssyncadd.s32 $0xFFFFCE00  }
0xe9: {  	[spmem:s2] =	stream.indirect.scatter.add.f32 [tilespmem:s3], [sflag:$0x1], $0x1, s0, s0, $0xb8;
	[tilespmem:$0x15980] =	vst v63  }
0xea: {  	_ =	swait.ge [sflag:s23], $0x3200  }
0xeb: {  	[sflag:s23] =	ssyncset.done $0x0  }
0xec: {  	[sflag:s23] =	ssyncadd.s32 $0xFFFFCE00  }
0xed: {  	[bflag:$0x0] =	sbarrier.arrive $0xFFFF  }
0xee: {  	[tilespmem:s22], [sflag:$0x1] =	stream.linear.gather [spmem:s11], $0x1880, $0x38;
	[tilespmem:$0x15980] =	vst v63  }
0xef: {  	s1 =	sadd.s32 $0x1, s1;
	_ =	swait.ge [sflag:s23], $0x1880  }
0xf0: {  	p1 =	sne.s32 s1, s19;
	[sflag:s23] =	ssyncset.done $0x0  }
.Ltmp4:
0xf1: {  	[sflag:s23] =	ssyncadd.s32 $0xFFFFE780;
	(pc) =	sbr.rel @p1 .LBB2_1-.Ltmp4, $4  }
0xf2: {  	[hbm4b:s18+s5] =	stream.linear.scatter [tilespmem:s22], [sflag:$0x1], $0x1880, $0x38;
	[tilespmem:$0x15980] =	vst v63  }
0xf3: {  	_ =	swait.ge [sflag:s23], $0x1880  }
0xf4: {  	[sflag:s23] =	ssyncset.done $0x0  }
0xf5: {  	[sflag:s23] =	ssyncadd.s32 $0xFFFFE780  }
0xf6: {  	_ =	sfence.sel $0x180000  }
0xf7: {  	[bflag:$0x0] =	sbarrier.arrive $0xFFFF  }
0xf8: {  	_ =	strace $0x9000004D  }
0xf9: {  	s0 =	stileid.u32;
	[bflag:$0x2] =	sbarrier.arrive $0xFFFF  }
0xfa: {  	p0 =	sne.s32 s0, $0x0;
	s0 =	rddreg [dreg:$0x4]  }
0xfb: {  	s0 =	sadd.s32 @!p0 $0x100000, s0  }
0xfc: {  	[sflag:s0] =	ssyncadd.tile.s32 @!p0 $0x1;
	_ =	shalt  }
.Lfunc_end2:
_tile_overlayer_lowered:
.L_overlay_start_2:
0xfd: {  	(tag) =	ssettag $0x2  }
0xfe: {  	s0 =	rddreg [dreg:$0x0];
	s2 =	stileid.u32  }
0xff: {  	s1 =	rddreg [dreg:$0x1];
	p0 =	sne.s32 s2, $0x0  }
0x100: {  	s3 =	rddreg [dreg:$0x2];
	[bflag:$0x3] =	sbarrier.arrive $0xFFFF;
	s2 =	simm.s32 @!p0 $0x1C01  }
0x101: {  	[timem:s3], [sflag:s2] =	dma.local @!p0 [hbm:s0], s1  }
0x102: {  	s0 =	simm.s32 @!p0 $0x1  }
0x103: {  	_ =	swait.ge @!p0 [sflag:s0], s1  }
0x104: {  	s1 =	ssub.s32 @!p0 $0x0, s1;
	[sflag:s0] =	ssyncset.done @!p0 $0x0  }
0x105: {  	[sflag:s0] =	ssyncadd.s32 @!p0 s1  }
0x106: {  	[bflag:$0x3] =	sbarrier.arrive $0xFFFF  }
0x107: {  	_ =	shalt  }

// kernel: kernel.5.cloned.1.call-start
scs
__scs_entry_jumppad:
0x0: {  	(pc) =	sbr.rel $0x88, $3  }
0x1: {  	(tag) =	ssettag $0x0;
	lr =	simm.s32 $0x1  }
0x2: {  	[smem:$0x3F9B] =	sst lr;
	_ =	strace $0xD0000000  }
0x3: {  	_ = 	snop  }
0x4: {  	_ = 	snop  }
0x5: {  	_ = 	snop  }
0x6: {  	_ = 	snop  }
0x7: {  	_ = 	snop  }
__scs_overlays_trampoline_lowered:
0x8: {  	[smem:$0x3FAA] =	sst s0  }
0x9: {  	[smem:$0x3FAB] =	sst s1  }
0xa: {  	[smem:$0x3FAC] =	sst s2  }
0xb: {  	[smem:$0x3FAD] =	sst s3  }
0xc: {  	[smem:$0x3FAE] =	sst s4  }
0xd: {  	[smem:$0x3FAF] =	sst s5  }
0xe: {  	[smem:$0x3FB0] =	sst s6  }
0xf: {  	[smem:$0x3FB1] =	sst s7  }
0x10: {  	[smem:$0x3FB2] =	sst s8  }
0x11: {  	[smem:$0x3FB3] =	sst s9;
	s0 =	simm.s32 @!p0 $0x0  }
0x12: {  	s1 =	sld [smem:$0x3F99];
	s0 =	simm.s32 @p0 $0x1  }
0x13: {  	[smem:$0x3FB4] =	sst s0;
	s0 =	simm.s32 @!p1 $0x0  }
0x14: {  	s2 =	sld [smem:$0x3F98];
	s0 =	simm.s32 @p1 $0x1  }
0x15: {  	[smem:$0x3FB5] =	sst s0;
	s0 =	simm.s32 @!p2 $0x0  }
0x16: {  	s3 =	sld [smem:$0x3FDB];
	s0 =	simm.s32 @p2 $0x1  }
0x17: {  	s4 =	simm.s32 $0x1BF5;
	[smem:$0x3FB7] =	sst s0  }
0x18: {  	s0 =	sld [smem:$0x3F9A];
	_ =	swait.ge [sflag:s4], $0x0  }
0x19: {  	s7 =	sld [smem:$0x3F9B]  }
0x1a: {  	s8 =	sadd.s32 $0xFFFFE003, lr  }
0x1b: {  	s9 =	sadd.s32 $0xFFFFFEF7, lr;
	s5 =	simm.s32 $0xFFFFFFFF;
	p2 =	slt.u32 s8, $0xFFFFF086  }
0x1c: {  	p1 =	slt.u32 s9, $0xF7A;
	s5 =	simm.s32 @!p2 $0x0  }
0x1d: {  	s5 =	simm.s32 @p1 $0x1;
	p0 =	seq.s32 s7, s2  }
0x1e: {  	s7 =	smul.u32 @!p0 $0xF7A, s2;
	p2 =	seq.s32 @!p0 s5, $0x0  }
0x1f: {  	s9 =	smul.u32 $0xF7A, s1;
	s8 =	simm.s32 @!p0 $0x1BF5;
	p2 =	por !p2, p0  }
0x20: {  	[sflag:s8] =	ssyncset.s32 @!p0 $0xFFFFF086;
	s6 =	sadd.s32 @!p0 s3, s7;
	s7 =	simm.s32 @!p0 $0x108  }
0x21: {  	s3 =	sadd.s32 s3, s9;
	s6 =	sadd.s32 @!p0 $0x88, s6;
	s7 =	simm.s32 @p2 $0x1082  }
0x22: {  	[simem:s7], [sflag:s8] =	dma.local @!p0 [hbm:s6], $0xF7A  }
0x23: {  	s9 =	sor.u32 $0xD0000000, s2;
	s6 =	simm.s32 $0x108;
	_ =	swait.ge @!p0 [sflag:s8], $0x0  }
0x24: {  	s3 =	sadd.s32 $0x88, s3;
	s6 =	simm.s32 @!p1 $0x1082;
	[sflag:s4] =	ssyncset.s32 $0xFFFFF086  }
0x25: {  	[simem:s6], [sflag:s4] =	dma.local [hbm:s3], $0xF7A  }
0x26: {  	[smem:$0x3F9B] =	sst s1;
	(tag) =	ssettag s2;
	_ =	strace s9  }
0x27: {  	s1 =	sld [smem:$0x3FAB]  }
0x28: {  	s2 =	sld [smem:$0x3FAC]  }
0x29: {  	s4 =	sld [smem:$0x3FAE]  }
0x2a: {  	p0 =	seq.s32 s5, $0x0;
	s5 =	sld [smem:$0x3FAF]  }
0x2b: {  	s6 =	sld [smem:$0x3FB0]  }
0x2c: {  	s7 =	sld [smem:$0x3FB1]  }
0x2d: {  	s3 =	simm.s32 $0x108;
	s8 =	sld [smem:$0x3FB2]  }
0x2e: {  	s3 =	simm.s32 @!p0 $0x1082;
	s9 =	sld [smem:$0x3FB3]  }
0x2f: {  	lr =	sadd.s32 s0, s3;
	s0 =	sld [smem:$0x3FAA]  }
0x30: {  	s3 =	sld [smem:$0x3FAD]  }
0x31: {  	[smem:$0x3FB6] =	sst s10  }
0x32: {  	s10 =	sld [smem:$0x3FB4];
	_ =	sdelay $0x3  }
0x33: {  	p0 =	seq.s32 s10, $0x1;
	s10 =	sld [smem:$0x3FB6];
	_ =	sdelay $0x3  }
0x34: {  	[smem:$0x3FB6] =	sst s10  }
0x35: {  	s10 =	sld [smem:$0x3FB5];
	_ =	sdelay $0x3  }
0x36: {  	p1 =	seq.s32 s10, $0x1;
	s10 =	sld [smem:$0x3FB6];
	_ =	sdelay $0x3  }
0x37: {  	[smem:$0x3FB6] =	sst s10  }
0x38: {  	s10 =	sld [smem:$0x3FB7]  }
0x39: {  	_ = 	snop;
	(pc) =	sbr.ind lr, $3  }
0x3a: {  	_ = 	snop  }
0x3b: {  	_ = 	snop  }
0x3c: {  	p2 =	seq.s32 s10, $0x1;
	s10 =	sld [smem:$0x3FB6]  }
0x3d: {  	_ =	shalt  }
0x3e: {  	_ =	shalt  }
0x3f: {  	_ =	shalt  }
0x40: {  	_ =	shalt  }
0x41: {  	_ =	shalt  }
0x42: {  	_ =	shalt  }
0x43: {  	_ =	shalt  }
0x44: {  	_ =	shalt  }
0x45: {  	_ =	shalt  }
0x46: {  	_ =	shalt  }
0x47: {  	_ =	shalt  }
0x48: {  	_ =	shalt  }
0x49: {  	_ =	shalt  }
0x4a: {  	_ =	shalt  }
0x4b: {  	_ =	shalt  }
0x4c: {  	_ =	shalt  }
0x4d: {  	_ =	shalt  }
0x4e: {  	_ =	shalt  }
0x4f: {  	_ =	shalt  }
0x50: {  	_ =	shalt  }
0x51: {  	_ =	shalt  }
0x52: {  	_ =	shalt  }
0x53: {  	_ =	shalt  }
0x54: {  	_ =	shalt  }
0x55: {  	_ =	shalt  }
0x56: {  	_ =	shalt  }
0x57: {  	_ =	shalt  }
0x58: {  	_ =	shalt  }
0x59: {  	_ =	shalt  }
0x5a: {  	_ =	shalt  }
0x5b: {  	_ =	shalt  }
0x5c: {  	_ =	shalt  }
0x5d: {  	_ =	shalt  }
0x5e: {  	_ =	shalt  }
0x5f: {  	_ =	shalt  }
0x60: {  	_ =	shalt  }
0x61: {  	_ =	shalt  }
0x62: {  	_ =	shalt  }
0x63: {  	_ =	shalt  }
0x64: {  	_ =	shalt  }
0x65: {  	_ =	shalt  }
0x66: {  	_ =	shalt  }
0x67: {  	_ =	shalt  }
0x68: {  	_ =	shalt  }
0x69: {  	_ =	shalt  }
0x6a: {  	_ =	shalt  }
0x6b: {  	_ =	shalt  }
0x6c: {  	_ =	shalt  }
0x6d: {  	_ =	shalt  }
0x6e: {  	_ =	shalt  }
0x6f: {  	_ =	shalt  }
0x70: {  	_ =	shalt  }
0x71: {  	_ =	shalt  }
0x72: {  	_ =	shalt  }
0x73: {  	_ =	shalt  }
0x74: {  	_ =	shalt  }
0x75: {  	_ =	shalt  }
0x76: {  	_ =	shalt  }
0x77: {  	_ =	shalt  }
0x78: {  	_ =	shalt  }
0x79: {  	_ =	shalt  }
0x7a: {  	_ =	shalt  }
0x7b: {  	_ =	shalt  }
0x7c: {  	_ =	shalt  }
0x7d: {  	_ =	shalt  }
0x7e: {  	_ =	shalt  }
0x7f: {  	_ =	shalt  }
0x80: {  	_ =	shalt  }
0x81: {  	_ =	shalt  }
0x82: {  	_ =	shalt  }
0x83: {  	_ =	shalt  }
0x84: {  	_ =	shalt  }
0x85: {  	_ =	shalt  }
0x86: {  	_ =	shalt  }
0x87: {  	_ =	shalt  }
.Lfunc_end0:
.L_simem_size_0:
called_computation_lowered:
.L_overlay_start_0:
0x88: {  	s2 =	sld [smem:$0x3FD9]  }
0x89: {  	s3 =	sld [smem:$0x3FFE];
	_ =	sdelay $0x1  }
0x8a: {  	s1 =	srdreg.scid  }
0x8b: {  	s0 =	sand.u32 $0x1, s1  }
0x8c: {  	s17 =	sshll.u32 s0, $0xA;
	s2 =	sadd.s32 s3, s2  }
0x8d: {  	s2 =	sadd.s32 s2, s17  }
0x8e: {  	[smem:$0x3FC2] =	sst s2  }
0x8f: {  	_ = 	snop  }
0x90: {  	s2 =	sld [smem:$0x3FD0];
	(tm) =	ssettm $0x1  }
0x91: {  	s18 =	sld [smem:$0x3FFB];
	_ =	sdelay $0x3  }
0x92: {  	_ =	strace s18  }
0x93: {  	s3 =	sld [smem:$0x3FFC];
	_ =	sdelay $0x3  }
0x94: {  	_ =	strace s3  }
0x95: {  	s3 =	sld [smem:$0x3FFD];
	_ =	sdelay $0x3  }
0x96: {  	_ =	strace s3  }
0x97: {  	_ =	strace $0x8FFFFFFF  }
0x98: {  	s19 =	sld [smem:$0x3FDB];
	_ =	sdelay $0x1  }
0x99: {  	s4 =	simm.s32 $_scs_section_size  }
0x9a: {  	s5 =	simm.s32 $_size__tile_overlayer_lowered;
	s6 =	simm.s32 $_tile_overlayer_lowered  }
0x9b: {  	s22 =	simm.s32 $0x1BFF;
	s21 =	sshll.u32 s6, $0x1;
	s3 =	sadd.s32 s4, s19  }
0x9c: {  	s7 =	simm.s32 $0x0;
	s20 =	sshll.u32 s5, $0x1;
	s5 =	sadd.s32 s21, s3  }
0x9d: {  	[timem:s7], [sflag:s22] =	dma.local [hbm:s5], s20  }
0x9e: {  	_ =	swait.ge [sflag:s22], s20  }
0x9f: {  	s4 =	ssub.s32 $0x0, s20;
	[sflag:s22] =	ssyncset.done $0x0  }
0xa0: {  	[sflag:s22] =	ssyncadd.s32 s4;
	_ =	sdelay $0x1  }
0xa1: {  	s23 =	simm.s32 $0x1B8B  }
0xa2: {  	_ =	swait.ge [sflag:s23], $0x1  }
0xa3: {  	[sflag:s23] =	ssyncset.done $0x0  }
0xa4: {  	s25 =	simm.s32 $0x1B8E;
	s24 =	sld [smem:$0x3FFE];
	[sflag:s23] =	ssyncadd.s32 $0xFFFFFFFF  }
0xa5: {  	s26 =	simm.s32 $execute0_lowered;
	[smem:$0x3FD2] =	sst s25  }
0xa6: {  	s5 =	sshll.u32 s26, $0x1;
	_ =	strace $0x80000046;
	[dreg:$0x1] =	wrdreg $0xFFFFFFFF  }
0xa7: {  	s28 =	simm.s32 $_size_execute0_lowered;
	s3 =	sadd.s32 s3, s5;
	[dreg:$0x0] =	wrdreg $0x0  }
0xa8: {  	s5 =	sshll.u32 s28, $0x1;
	[dreg:$0x2] =	wrdreg s3  }
0xa9: {  	[dreg:$0x3] =	wrdreg s5  }
0xaa: {  	[dreg:$0x4] =	wrdreg $0xC0  }
0xab: {  	_ =	task [dreg:s7], $0x5FFFF  }
0xac: {  	[dreg:$0x1] =	wrdreg $0xFFFFFFFF  }
0xad: {  	[dreg:$0x0] =	wrdreg $0x60  }
0xae: {  	[dreg:$0x2] =	wrdreg s24  }
0xaf: {  	[dreg:$0x3] =	wrdreg s2  }
0xb0: {  	[dreg:$0x4] =	wrdreg $0x7C800  }
0xb1: {  	[dreg:$0x5] =	wrdreg $0x9  }
0xb2: {  	_ =	task.clear_ibuf [dreg:s7], $0x6FFFF;
	_ =	strace $0x90000046  }
0xb3: {  	s29 =	simm.s32 $0x9;
	_ =	strace $0x80000048  }
0xb4: {  	_ =	swait.ge [sflag:s29], $0x1  }
0xb5: {  	[sflag:s29] =	ssyncadd.s32 $0xFFFFFFFF  }
0xb6: {  	_ =	strace $0x90000048  }
0xb7: {  	_ =	sfence  }
0xb8: {  	s30 =	sld [smem:$0x0];
	_ =	sdelay $0x2  }
0xb9: {  	s31 =	sshll.u32 s1, $0xD;
	s1 =	sshrl.u32 s1, $0x2  }
0xba: {  	s3 =	sand.u32 $0x4000, s31;
	s1 =	sadd.s32 s1, s30  }
0xbb: {  	s0 =	sor.u32 s3, s0;
	s1 =	sshll.u32 s1, $0x11  }
0xbc: {  	s0 =	sor.u32 s1, s0  }
0xbd: {  	s0 =	sadd.s32 $0x8F2B, s0  }
0xbe: {  	[sflag:s0] =	ssyncadd.remote.s32 $0x1  }
0xbf: {  	_ =	sfence.sel $0xFFFF  }
0xc0: {  	[dreg:$0x0] =	wrdreg $0xFFFFFFFF;
	(pc) =	sbr.abs _section_cstart, $3  }
0xc1: {  	[dreg:$0x1] =	wrdreg $0xFFFFFFFF  }
0xc2: {  	_ =	task.clear_ibuf [dreg:s7], $0x2FFFF;
	_ =	strace $0x9FFFFFFF  }
0xc3: {  	(tm) =	ssettm $0x7FFFFFFF  }
tec
execute0_lowered:
.L_overlay_start_1:
0x0: {  	(tag) =	ssettag $0x1  }
0x1: {  	s7 =	rddreg [dreg:$0x0]  }
0x2: {  	s2 =	rddreg [dreg:$0x1];
	s1 =	srdreg.scid  }
0x3: {  	s0 =	stileid.u32;
	s3 =	rddreg [dreg:$0x2]  }
0x4: {  	s4 =	simm.s32 $0x0;
	s8 =	sand.u32 $0x1, s1;
	s1 =	rddreg [dreg:$0x3]  }
0x5: {  	s15 =	simm.s32 $0x0;
	s9 =	smul.u32 $0x1880, s0;
	[smem:$0x7FF] =	sst s4  }
0x6: {  	s5 =	sadd.s32 $0x63600, s7;
	s12 =	sshll.u32 s0, $0x1;
	s13 =	smul.u32 $0x6400, s0  }
0x7: {  	s6 =	smul.u32 $0x18800, s8;
	_ =	strace $0x80000047;
	s11 =	ssub.s32 $0x2, s8  }
0x8: {  	s12 =	sor.u32 s12, s8;
	s14 =	smul.u32 $0x3200, s8;
	s30 =	sshrl.u32 s11, $0x1  }
0x9: {  	s12 =	ssub.s32 $0xF9, s12;
	s10 =	sadd.s32 s9, s6;
	s6 =	sadd.s32 $0xC5200, s7  }
0xa: {  	s11 =	ssub.s32 s11, s30;
	s31 =	sshrl.u32 s12, $0x5;
	s10 =	sshrl.u32 s10, $0x3  }
0xb: {  	s12 =	simm.s32 $0x6400;
	s10 =	sadd.s32 s10, s7;
	s7 =	sadd.s32 s9, s3  }
0xc: {  	s9 =	smax.u32 s11, $0x1;
	s11 =	sadd.s32 s14, s13;
	s13 =	simm.s32 $0x1  }
0xd: {  	s14 =	simm.s32 $0x3200;
	s8 =	sadd.s32 $0xC5600, s10;
	s10 =	sxor.u32 $0xFFFFFFFF, s31  }
.LBB2_1:
0xe: {  	[tilespmem:s12], [sflag:$0x1] =	stream.linear.gather [hbm4b:s6+s4], $0x1880, $0x38;
	[tilespmem:$0x9500] =	vst v63  }
0xf: {  	_ =	swait.ge [sflag:s13], $0x1880  }
0x10: {  	[sflag:s13] =	ssyncset.done $0x0  }
0x11: {  	[sflag:s13] =	ssyncadd.s32 $0xFFFFE780  }
0x12: {  	[spmem:s7] =	stream.linear.scatter [tilespmem:s12], [sflag:$0x1], $0x1880, $0x38;
	[tilespmem:$0x9500] =	vst v63  }
0x13: {  	_ =	swait.ge [sflag:s13], $0x1880  }
0x14: {  	s16 =	sadd.s32 $0x1, s10;
	[sflag:s13] =	ssyncset.done $0x0  }
0x15: {  	p1 =	seq.s32 s16, $0x0;
	[sflag:s13] =	ssyncadd.s32 $0xFFFFE780  }
0x16: {  	[tilespmem:s14], [sflag:$0x1] =	stream.linear.gather [hbm4b:s2+s4], $0x3200, $0x38;
	[tilespmem:$0x9500] =	vst v63  }
.Ltmp0:
0x17: {  	_ =	swait.ge [sflag:s13], $0x3200;
	(pc) =	sbr.rel @p1 .LBB2_4-.Ltmp0, $4  }
0x18: {  	[sflag:s13] =	ssyncset.done $0x0  }
0x19: {  	[sflag:s13] =	ssyncadd.s32 $0xFFFFCE00  }
0x1a: {  	[bflag:$0x0] =	sbarrier.arrive $0xFFFF  }
0x1b: {  	s18 =	sshrl.u32 s11, $0x3;
	p0 =	por $0x0, $0x0  }
0x1c: {  	s17 =	sadd.s32 s5, s18;
	s16 =	sadd.s32 $0x1, s16  }
0x1d: {  	[tilespmem:s4], [sflag:$0x1] =	stream.linear.gather [hbm4b:s17+s4], $0x3200, $0x38;
	[tilespmem:$0x9500] =	vst v63  }
0x1e: {  	p1 =	seq.s32 s16, $0x0;
	_ =	swait.ge [sflag:s13], $0x3200  }
.Ltmp1:
0x1f: {  	[sflag:s13] =	ssyncset.done $0x0;
	(pc) =	sbr.rel @p1 .LBB2_4-.Ltmp1, $4  }
0x20: {  	[sflag:s13] =	ssyncadd.s32 $0xFFFFCE00  }
0x21: {  	[spmem:s3] =	stream.indirect.scatter.add.f32 [tilespmem:s14], [sflag:$0x1], $0x1, s4, s14, $0xb8;
	[tilespmem:$0x9500] =	vst v63  }
0x22: {  	s17 =	sadd.s32 $0x64000, s11;
	_ =	swait.ge [sflag:s13], $0x3200  }
0x23: {  	p0 =	por $0x1, $0x1;
	s18 =	sshrl.u32 s17, $0x3;
	[sflag:s13] =	ssyncset.done $0x0  }
.LBB2_3:
0x24: {  	s16 =	sadd.s32 $0x1, s16;
	s18 =	sadd.s32 s5, s18;
	[sflag:s13] =	ssyncadd.s32 $0xFFFFCE00  }
0x25: {  	[tilespmem:s4], [sflag:$0x1] =	stream.linear.gather [hbm4b:s18+s4], $0x3200, $0x38;
	[tilespmem:$0x9500] =	vst v63  }
0x26: {  	p1 =	seq.s32 s16, $0x0;
	_ =	swait.ge [sflag:s13], $0x3200  }
.Ltmp2:
0x27: {  	[sflag:s13] =	ssyncset.done $0x0;
	(pc) =	sbr.rel @!p1 .LBB2_3-.Ltmp2, $4  }
0x28: {  	[sflag:s13] =	ssyncadd.s32 $0xFFFFCE00  }
0x29: {  	[spmem:s3] =	stream.indirect.scatter.add.f32 [tilespmem:s14], [sflag:$0x1], $0x1, s4, s14, $0xb8;
	[tilespmem:$0x9500] =	vst v63  }
0x2a: {  	s17 =	sadd.s32 $0x64000, s17;
	_ =	swait.ge [sflag:s13], $0x3200  }
0x2b: {  	s18 =	sshrl.u32 s17, $0x3;
	[sflag:s13] =	ssyncset.done $0x0  }
.LBB2_4:
0x2c: {  	s16 =	sadd.s32 s5, s18;
	[sflag:s13] =	ssyncadd.s32 @p0 $0xFFFFCE00  }
0x2d: {  	[tilespmem:s4], [sflag:$0x1] =	stream.linear.gather [hbm4b:s16+s4], $0x3200, $0x38;
	[tilespmem:$0x9500] =	vst v63  }
0x2e: {  	_ =	swait.ge [sflag:s13], $0x3200  }
0x2f: {  	[sflag:s13] =	ssyncset.done $0x0  }
0x30: {  	[sflag:s13] =	ssyncadd.s32 $0xFFFFCE00  }
0x31: {  	[spmem:s3] =	stream.indirect.scatter.add.f32 [tilespmem:s14], [sflag:$0x1], $0x1, s4, s14, $0xb8;
	[tilespmem:$0x9500] =	vst v63  }
0x32: {  	_ =	swait.ge [sflag:s13], $0x3200  }
0x33: {  	[sflag:s13] =	ssyncset.done $0x0  }
0x34: {  	[sflag:s13] =	ssyncadd.s32 $0xFFFFCE00  }
0x35: {  	[bflag:$0x0] =	sbarrier.arrive $0xFFFF  }
0x36: {  	[tilespmem:s12], [sflag:$0x1] =	stream.linear.gather [spmem:s7], $0x1880, $0x38;
	[tilespmem:$0x9500] =	vst v63  }
0x37: {  	s15 =	sadd.s32 $0x1, s15;
	_ =	swait.ge [sflag:s13], $0x1880  }
0x38: {  	p0 =	sne.s32 s15, s9;
	[sflag:s13] =	ssyncset.done $0x0  }
.Ltmp3:
0x39: {  	[sflag:s13] =	ssyncadd.s32 $0xFFFFE780;
	(pc) =	sbr.rel @p0 .LBB2_1-.Ltmp3, $4  }
0x3a: {  	[hbm4b:s8+s4] =	stream.linear.scatter [tilespmem:s12], [sflag:$0x1], $0x1880, $0x38;
	[tilespmem:$0x9500] =	vst v63  }
0x3b: {  	_ =	swait.ge [sflag:s13], $0x1880  }
0x3c: {  	[sflag:s13] =	ssyncset.done $0x0  }
0x3d: {  	[sflag:s13] =	ssyncadd.s32 $0xFFFFE780  }
0x3e: {  	_ =	sfence.sel $0x180000  }
0x3f: {  	[bflag:$0x0] =	sbarrier.arrive $0xFFFF  }
0x40: {  	p0 =	sne.s32 s0, $0x0;
	_ =	strace $0x90000047  }
0x41: {  	s0 =	sadd.s32 @!p0 $0x100000, s1;
	[bflag:$0x2] =	sbarrier.arrive $0xFFFF  }
0x42: {  	[sflag:s0] =	ssyncadd.tile.s32 @!p0 $0x1;
	_ =	shalt  }
.Lfunc_end2:
_tile_overlayer_lowered:
.L_overlay_start_2:
0x43: {  	(tag) =	ssettag $0x2  }
0x44: {  	s0 =	rddreg [dreg:$0x0];
	s2 =	stileid.u32  }
0x45: {  	s1 =	rddreg [dreg:$0x1];
	p0 =	sne.s32 s2, $0x0  }
0x46: {  	s3 =	rddreg [dreg:$0x2];
	[bflag:$0x3] =	sbarrier.arrive $0xFFFF;
	s2 =	simm.s32 @!p0 $0x1C01  }
0x47: {  	[timem:s3], [sflag:s2] =	dma.local @!p0 [hbm:s0], s1  }
0x48: {  	s0 =	simm.s32 @!p0 $0x1  }
0x49: {  	_ =	swait.ge @!p0 [sflag:s0], s1  }
0x4a: {  	s1 =	ssub.s32 @!p0 $0x0, s1;
	[sflag:s0] =	ssyncset.done @!p0 $0x0  }
0x4b: {  	[sflag:s0] =	ssyncadd.s32 @!p0 s1  }
0x4c: {  	[bflag:$0x3] =	sbarrier.arrive $0xFFFF  }
0x4d: {  	_ =	shalt  }

// kernel: kernel.8.cloned.1.call-start
scs
__scs_entry_jumppad:
0x0: {  	(pc) =	sbr.rel $0x88, $3  }
0x1: {  	(tag) =	ssettag $0x0;
	lr =	simm.s32 $0x1  }
0x2: {  	[smem:$0x3F9B] =	sst lr;
	_ =	strace $0xD0000000  }
0x3: {  	_ = 	snop  }
0x4: {  	_ = 	snop  }
0x5: {  	_ = 	snop  }
0x6: {  	_ = 	snop  }
0x7: {  	_ = 	snop  }
__scs_overlays_trampoline_lowered:
0x8: {  	[smem:$0x3FAA] =	sst s0  }
0x9: {  	[smem:$0x3FAB] =	sst s1  }
0xa: {  	[smem:$0x3FAC] =	sst s2  }
0xb: {  	[smem:$0x3FAD] =	sst s3  }
0xc: {  	[smem:$0x3FAE] =	sst s4  }
0xd: {  	[smem:$0x3FAF] =	sst s5  }
0xe: {  	[smem:$0x3FB0] =	sst s6  }
0xf: {  	[smem:$0x3FB1] =	sst s7  }
0x10: {  	[smem:$0x3FB2] =	sst s8  }
0x11: {  	[smem:$0x3FB3] =	sst s9;
	s0 =	simm.s32 @!p0 $0x0  }
0x12: {  	s1 =	sld [smem:$0x3F99];
	s0 =	simm.s32 @p0 $0x1  }
0x13: {  	[smem:$0x3FB4] =	sst s0;
	s0 =	simm.s32 @!p1 $0x0  }
0x14: {  	s2 =	sld [smem:$0x3F98];
	s0 =	simm.s32 @p1 $0x1  }
0x15: {  	[smem:$0x3FB5] =	sst s0;
	s0 =	simm.s32 @!p2 $0x0  }
0x16: {  	s3 =	sld [smem:$0x3FDB];
	s0 =	simm.s32 @p2 $0x1  }
0x17: {  	s4 =	simm.s32 $0x1BF5;
	[smem:$0x3FB7] =	sst s0  }
0x18: {  	s0 =	sld [smem:$0x3F9A];
	_ =	swait.ge [sflag:s4], $0x0  }
0x19: {  	s7 =	sld [smem:$0x3F9B]  }
0x1a: {  	s8 =	sadd.s32 $0xFFFFE003, lr  }
0x1b: {  	s9 =	sadd.s32 $0xFFFFFEF7, lr;
	s5 =	simm.s32 $0xFFFFFFFF;
	p2 =	slt.u32 s8, $0xFFFFF086  }
0x1c: {  	p1 =	slt.u32 s9, $0xF7A;
	s5 =	simm.s32 @!p2 $0x0  }
0x1d: {  	s5 =	simm.s32 @p1 $0x1;
	p0 =	seq.s32 s7, s2  }
0x1e: {  	s7 =	smul.u32 @!p0 $0xF7A, s2;
	p2 =	seq.s32 @!p0 s5, $0x0  }
0x1f: {  	s9 =	smul.u32 $0xF7A, s1;
	s8 =	simm.s32 @!p0 $0x1BF5;
	p2 =	por !p2, p0  }
0x20: {  	[sflag:s8] =	ssyncset.s32 @!p0 $0xFFFFF086;
	s6 =	sadd.s32 @!p0 s3, s7;
	s7 =	simm.s32 @!p0 $0x108  }
0x21: {  	s3 =	sadd.s32 s3, s9;
	s6 =	sadd.s32 @!p0 $0x88, s6;
	s7 =	simm.s32 @p2 $0x1082  }
0x22: {  	[simem:s7], [sflag:s8] =	dma.local @!p0 [hbm:s6], $0xF7A  }
0x23: {  	s9 =	sor.u32 $0xD0000000, s2;
	s6 =	simm.s32 $0x108;
	_ =	swait.ge @!p0 [sflag:s8], $0x0  }
0x24: {  	s3 =	sadd.s32 $0x88, s3;
	s6 =	simm.s32 @!p1 $0x1082;
	[sflag:s4] =	ssyncset.s32 $0xFFFFF086  }
0x25: {  	[simem:s6], [sflag:s4] =	dma.local [hbm:s3], $0xF7A  }
0x26: {  	[smem:$0x3F9B] =	sst s1;
	(tag) =	ssettag s2;
	_ =	strace s9  }
0x27: {  	s1 =	sld [smem:$0x3FAB]  }
0x28: {  	s2 =	sld [smem:$0x3FAC]  }
0x29: {  	s4 =	sld [smem:$0x3FAE]  }
0x2a: {  	p0 =	seq.s32 s5, $0x0;
	s5 =	sld [smem:$0x3FAF]  }
0x2b: {  	s6 =	sld [smem:$0x3FB0]  }
0x2c: {  	s7 =	sld [smem:$0x3FB1]  }
0x2d: {  	s3 =	simm.s32 $0x108;
	s8 =	sld [smem:$0x3FB2]  }
0x2e: {  	s3 =	simm.s32 @!p0 $0x1082;
	s9 =	sld [smem:$0x3FB3]  }
0x2f: {  	lr =	sadd.s32 s0, s3;
	s0 =	sld [smem:$0x3FAA]  }
0x30: {  	s3 =	sld [smem:$0x3FAD]  }
0x31: {  	[smem:$0x3FB6] =	sst s10  }
0x32: {  	s10 =	sld [smem:$0x3FB4];
	_ =	sdelay $0x3  }
0x33: {  	p0 =	seq.s32 s10, $0x1;
	s10 =	sld [smem:$0x3FB6];
	_ =	sdelay $0x3  }
0x34: {  	[smem:$0x3FB6] =	sst s10  }
0x35: {  	s10 =	sld [smem:$0x3FB5];
	_ =	sdelay $0x3  }
0x36: {  	p1 =	seq.s32 s10, $0x1;
	s10 =	sld [smem:$0x3FB6];
	_ =	sdelay $0x3  }
0x37: {  	[smem:$0x3FB6] =	sst s10  }
0x38: {  	s10 =	sld [smem:$0x3FB7]  }
0x39: {  	_ = 	snop;
	(pc) =	sbr.ind lr, $3  }
0x3a: {  	_ = 	snop  }
0x3b: {  	_ = 	snop  }
0x3c: {  	p2 =	seq.s32 s10, $0x1;
	s10 =	sld [smem:$0x3FB6]  }
0x3d: {  	_ =	shalt  }
0x3e: {  	_ =	shalt  }
0x3f: {  	_ =	shalt  }
0x40: {  	_ =	shalt  }
0x41: {  	_ =	shalt  }
0x42: {  	_ =	shalt  }
0x43: {  	_ =	shalt  }
0x44: {  	_ =	shalt  }
0x45: {  	_ =	shalt  }
0x46: {  	_ =	shalt  }
0x47: {  	_ =	shalt  }
0x48: {  	_ =	shalt  }
0x49: {  	_ =	shalt  }
0x4a: {  	_ =	shalt  }
0x4b: {  	_ =	shalt  }
0x4c: {  	_ =	shalt  }
0x4d: {  	_ =	shalt  }
0x4e: {  	_ =	shalt  }
0x4f: {  	_ =	shalt  }
0x50: {  	_ =	shalt  }
0x51: {  	_ =	shalt  }
0x52: {  	_ =	shalt  }
0x53: {  	_ =	shalt  }
0x54: {  	_ =	shalt  }
0x55: {  	_ =	shalt  }
0x56: {  	_ =	shalt  }
0x57: {  	_ =	shalt  }
0x58: {  	_ =	shalt  }
0x59: {  	_ =	shalt  }
0x5a: {  	_ =	shalt  }
0x5b: {  	_ =	shalt  }
0x5c: {  	_ =	shalt  }
0x5d: {  	_ =	shalt  }
0x5e: {  	_ =	shalt  }
0x5f: {  	_ =	shalt  }
0x60: {  	_ =	shalt  }
0x61: {  	_ =	shalt  }
0x62: {  	_ =	shalt  }
0x63: {  	_ =	shalt  }
0x64: {  	_ =	shalt  }
0x65: {  	_ =	shalt  }
0x66: {  	_ =	shalt  }
0x67: {  	_ =	shalt  }
0x68: {  	_ =	shalt  }
0x69: {  	_ =	shalt  }
0x6a: {  	_ =	shalt  }
0x6b: {  	_ =	shalt  }
0x6c: {  	_ =	shalt  }
0x6d: {  	_ =	shalt  }
0x6e: {  	_ =	shalt  }
0x6f: {  	_ =	shalt  }
0x70: {  	_ =	shalt  }
0x71: {  	_ =	shalt  }
0x72: {  	_ =	shalt  }
0x73: {  	_ =	shalt  }
0x74: {  	_ =	shalt  }
0x75: {  	_ =	shalt  }
0x76: {  	_ =	shalt  }
0x77: {  	_ =	shalt  }
0x78: {  	_ =	shalt  }
0x79: {  	_ =	shalt  }
0x7a: {  	_ =	shalt  }
0x7b: {  	_ =	shalt  }
0x7c: {  	_ =	shalt  }
0x7d: {  	_ =	shalt  }
0x7e: {  	_ =	shalt  }
0x7f: {  	_ =	shalt  }
0x80: {  	_ =	shalt  }
0x81: {  	_ =	shalt  }
0x82: {  	_ =	shalt  }
0x83: {  	_ =	shalt  }
0x84: {  	_ =	shalt  }
0x85: {  	_ =	shalt  }
0x86: {  	_ =	shalt  }
0x87: {  	_ =	shalt  }
.Lfunc_end0:
.L_simem_size_0:
called_computation.1_lowered:
.L_overlay_start_0:
0x88: {  	s2 =	sld [smem:$0x3FD9]  }
0x89: {  	s3 =	sld [smem:$0x3FFE];
	_ =	sdelay $0x1  }
0x8a: {  	s1 =	srdreg.scid  }
0x8b: {  	s0 =	sand.u32 $0x1, s1  }
0x8c: {  	s16 =	sshll.u32 s0, $0xA;
	s2 =	sadd.s32 s3, s2  }
0x8d: {  	s2 =	sadd.s32 s2, s16  }
0x8e: {  	[smem:$0x3FC2] =	sst s2  }
0x8f: {  	_ = 	snop  }
0x90: {  	(tm) =	ssettm $0x1  }
0x91: {  	s17 =	sld [smem:$0x3FFB];
	_ =	sdelay $0x3  }
0x92: {  	_ =	strace s17  }
0x93: {  	s2 =	sld [smem:$0x3FFC];
	_ =	sdelay $0x3  }
0x94: {  	_ =	strace s2  }
0x95: {  	s2 =	sld [smem:$0x3FFD];
	_ =	sdelay $0x3  }
0x96: {  	_ =	strace s2  }
0x97: {  	_ =	strace $0x8FFFFFFF  }
0x98: {  	s18 =	sld [smem:$0x3FDB];
	_ =	sdelay $0x1  }
0x99: {  	s19 =	simm.s32 $_scs_section_size  }
0x9a: {  	s4 =	simm.s32 $_size__tile_overlayer_lowered;
	s5 =	simm.s32 $_tile_overlayer_lowered  }
0x9b: {  	s22 =	simm.s32 $0x1BFF;
	s21 =	sshll.u32 s5, $0x1;
	s2 =	sadd.s32 s19, s18  }
0x9c: {  	s6 =	simm.s32 $0x0;
	s20 =	sshll.u32 s4, $0x1;
	s4 =	sadd.s32 s21, s2  }
0x9d: {  	[timem:s6], [sflag:s22] =	dma.local [hbm:s4], s20  }
0x9e: {  	_ =	swait.ge [sflag:s22], s20  }
0x9f: {  	s3 =	ssub.s32 $0x0, s20;
	[sflag:s22] =	ssyncset.done $0x0  }
0xa0: {  	[sflag:s22] =	ssyncadd.s32 s3;
	_ =	sdelay $0x1  }
0xa1: {  	s23 =	simm.s32 $0x1B8B  }
0xa2: {  	_ =	swait.ge [sflag:s23], $0x1  }
0xa3: {  	[sflag:s23] =	ssyncset.done $0x0  }
0xa4: {  	s25 =	simm.s32 $0x1B8E;
	s24 =	sld [smem:$0x3FFE];
	[sflag:s23] =	ssyncadd.s32 $0xFFFFFFFF  }
0xa5: {  	s26 =	simm.s32 $execute0_lowered;
	[smem:$0x3FD2] =	sst s25  }
0xa6: {  	s4 =	sshll.u32 s26, $0x1;
	_ =	strace $0x80000049;
	[dreg:$0x1] =	wrdreg $0xFFFFFFFF  }
0xa7: {  	s28 =	simm.s32 $_size_execute0_lowered;
	s2 =	sadd.s32 s2, s4;
	[dreg:$0x0] =	wrdreg $0x0  }
0xa8: {  	s4 =	sshll.u32 s28, $0x1;
	[dreg:$0x2] =	wrdreg s2  }
0xa9: {  	[dreg:$0x3] =	wrdreg s4  }
0xaa: {  	[dreg:$0x4] =	wrdreg $0xC0  }
0xab: {  	_ =	task [dreg:s6], $0x5FFFF  }
0xac: {  	[dreg:$0x1] =	wrdreg $0xFFFFFFFF  }
0xad: {  	[dreg:$0x0] =	wrdreg $0x60  }
0xae: {  	[dreg:$0x2] =	wrdreg s24  }
0xaf: {  	[dreg:$0x3] =	wrdreg $0x129000  }
0xb0: {  	[dreg:$0x4] =	wrdreg $0x110800  }
0xb1: {  	[dreg:$0x5] =	wrdreg $0x9  }
0xb2: {  	_ =	task.clear_ibuf [dreg:s6], $0x6FFFF;
	_ =	strace $0x90000049  }
0xb3: {  	s29 =	simm.s32 $0x9;
	_ =	strace $0x8000004B  }
0xb4: {  	_ =	swait.ge [sflag:s29], $0x1  }
0xb5: {  	[sflag:s29] =	ssyncadd.s32 $0xFFFFFFFF  }
0xb6: {  	_ =	strace $0x9000004B  }
0xb7: {  	_ =	sfence  }
0xb8: {  	s30 =	sld [smem:$0x0];
	_ =	sdelay $0x2  }
0xb9: {  	s31 =	sshll.u32 s1, $0xD;
	s1 =	sshrl.u32 s1, $0x2  }
0xba: {  	s3 =	sand.u32 $0x4000, s31;
	s1 =	sadd.s32 s1, s30  }
0xbb: {  	s0 =	sor.u32 s3, s0;
	s1 =	sshll.u32 s1, $0x11  }
0xbc: {  	s0 =	sor.u32 s1, s0  }
0xbd: {  	s0 =	sadd.s32 $0x8F2B, s0  }
0xbe: {  	[sflag:s0] =	ssyncadd.remote.s32 $0x1  }
0xbf: {  	_ =	sfence.sel $0xFFFF  }
0xc0: {  	[dreg:$0x0] =	wrdreg $0xFFFFFFFF;
	(pc) =	sbr.abs _section_cstart, $3  }
0xc1: {  	[dreg:$0x1] =	wrdreg $0xFFFFFFFF  }
0xc2: {  	_ =	task.clear_ibuf [dreg:s6], $0x2FFFF;
	_ =	strace $0x9FFFFFFF  }
0xc3: {  	(tm) =	ssettm $0x7FFFFFFF  }
tec
execute0_lowered:
.L_overlay_start_1:
0x0: {  	(tag) =	ssettag $0x1  }
0x1: {  	s0 =	rddreg [dreg:$0x0]  }
0x2: {  	s2 =	rddreg [dreg:$0x1]  }
0x3: {  	s3 =	rddreg [dreg:$0x2]  }
0x4: {  	s1 =	srdreg.scid;
	s16 =	stileid.u32  }
0x5: {  	s4 =	simm.s32 $0x0;
	s19 =	simm.s32 $0x1;
	s23 =	simm.s32 $0x3200  }
0x6: {  	s24 =	simm.s32 $0x6400;
	s25 =	simm.s32 $0x0;
	s1 =	sand.u32 $0x1, s1  }
0x7: {  	s12 =	smul.u32 $0x1880, s16;
	[smem:$0x7FF] =	sst s4;
	s5 =	sadd.s32 $0x1A00, s0  }
0x8: {  	s6 =	sadd.s32 $0x63600, s0;
	s13 =	sshll.u32 s16, $0x1;
	s17 =	smul.u32 $0x6400, s16  }
0x9: {  	s7 =	smul.u32 $0x18800, s1;
	_ =	strace $0x8000004A;
	s9 =	ssub.s32 $0x2, s1  }
0xa: {  	s13 =	sor.u32 s13, s1;
	s18 =	smul.u32 $0x3200, s1;
	p0 =	sne.s32 s1, $0x0  }
0xb: {  	s29 =	sshrl.u32 s12, $0x3;
	s10 =	sshrl.u32 s9, $0x1;
	s30 =	ssub.s32 $0xF9, s13  }
0xc: {  	s8 =	sadd.s32 s12, s7;
	s7 =	sadd.s32 $0xC5200, s0;
	s15 =	ssub.s32 s9, s10  }
0xd: {  	s31 =	sshrl.u32 s30, $0x5;
	s17 =	sadd.s32 s18, s17;
	s18 =	simm.s32 $0xF800  }
0xe: {  	s8 =	sshrl.u32 s8, $0x3;
	s15 =	smax.u32 s15, $0x1;
	s16 =	sxor.u32 $0xFFFFFFFF, s31  }
0xf: {  	s14 =	sadd.s32 s8, s0;
	s0 =	sadd.s32 s29, s0;
	s8 =	sadd.s32 s12, s2  }
0x10: {  	s12 =	sadd.s32 s12, s3;
	s9 =	sadd.s32 $0xC5600, s0;
	s10 =	sadd.s32 $0xC8700, s0  }
0x11: {  	s11 =	sadd.s32 $0xCB800, s0;
	s13 =	sadd.s32 $0xD4C00, s0;
	s14 =	sadd.s32 $0xCEA00, s14  }
.LBB2_1:
0x12: {  	[tilespmem:s18], [sflag:$0x1] =	stream.linear.gather [hbm4b:s7+s4], $0x1880, $0x38;
	[tilespmem:$0x14180] =	vst v63  }
0x13: {  	_ =	swait.ge [sflag:s19], $0x1880  }
0x14: {  	[sflag:s19] =	ssyncset.done $0x0  }
0x15: {  	[sflag:s19] =	ssyncadd.s32 $0xFFFFE780  }
0x16: {  	[spmem:s8] =	stream.linear.scatter [tilespmem:s18], [sflag:$0x1], $0x1880, $0x38;
	[tilespmem:$0x14180] =	vst v63  }
0x17: {  	_ =	swait.ge [sflag:s19], $0x1880  }
0x18: {  	[sflag:s19] =	ssyncset.done $0x0  }
0x19: {  	s0 =	simm.s32 $0x9600;
	[sflag:s19] =	ssyncadd.s32 $0xFFFFE780  }
0x1a: {  	[tilespmem:s0], [sflag:$0x1] =	stream.linear.gather [hbm4b:s9+s4], $0x1880, $0x38;
	[tilespmem:$0x14180] =	vst v63  }
0x1b: {  	_ =	swait.ge [sflag:s19], $0x1880  }
0x1c: {  	[sflag:s19] =	ssyncset.done $0x0  }
0x1d: {  	s22 =	simm.s32 $0xAE80;
	[sflag:s19] =	ssyncadd.s32 $0xFFFFE780  }
0x1e: {  	[tilespmem:s22], [sflag:$0x1] =	stream.linear.gather [hbm4b:s10+s4], $0x1880, $0x38;
	[tilespmem:$0x14180] =	vst v63  }
0x1f: {  	_ =	swait.ge [sflag:s19], $0x1880  }
0x20: {  	[sflag:s19] =	ssyncset.done $0x0  }
0x21: {  	s26 =	simm.s32 $0xC700;
	[sflag:s19] =	ssyncadd.s32 $0xFFFFE780  }
0x22: {  	[tilespmem:s26], [sflag:$0x1] =	stream.linear.gather [hbm4b:s11+s4], $0x1880, $0x38;
	[tilespmem:$0x14180] =	vst v63  }
0x23: {  	_ =	swait.ge [sflag:s19], $0x1880  }
0x24: {  	[sflag:s19] =	ssyncset.done $0x0  }
0x25: {  	s0 =	simm.s32 $0x0;
	[sflag:s19] =	ssyncadd.s32 $0xFFFFE780  }
0x26: {  	v0 =	vld [tilespmem:s0+$0x9600]  }
0x27: {  	v1 =	vld [tilespmem:s0+$0xAE80];
	_ =	sdelay $0x3  }
0x28: {  	s28 =	simm.s32 $0x10  }
0x29: {  	v2 =	vld [tilespmem:s28+$0x9600];
	v0 =	vadd.f32 v1, v0  }
0x2a: {  	v1 =	vld [tilespmem:s28+$0xAE80]  }
0x2b: {  	v0 =	vadd.f32 $1.000000000e+00, v0;
	_ =	sdelay $0x1  }
0x2c: {  	s30 =	simm.s32 $0x20;
	v3 =	vshra.s32 v0, $0x1;
	v4 =	vmul.f32 $5.000000000e-01, v0  }
0x2d: {  	v5 =	vld [tilespmem:s30+$0xAE80];
	v0 =	vsub.s32 $0x5F3759DF, v3  }
0x2e: {  	v3 =	vld [tilespmem:s30+$0x9600];
	v1 =	vadd.f32 v1, v2;
	v2 =	vmul.f32 v0, v4;
	_ =	sdelay $0x1  }
0x2f: {  	v1 =	vadd.f32 $1.000000000e+00, v1;
	v2 =	vmul.f32 v0, v2;
	_ =	sdelay $0x1  }
0x30: {  	s26 =	simm.s32 $0x30;
	v6 =	vshra.s32 v1, $0x1;
	v7 =	vmul.f32 $5.000000000e-01, v1;
	v1 =	vsub.f32 $1.500000000e+00, v2  }
0x31: {  	v8 =	vld [tilespmem:s26+$0xAE80];
	v2 =	vsub.s32 $0x5F3759DF, v6;
	v3 =	vadd.f32 v5, v3  }
0x32: {  	v6 =	vld [tilespmem:s26+$0x9600];
	v5 =	vmul.f32 v2, v7;
	v1 =	vmul.f32 v0, v1  }
0x33: {  	s29 =	simm.s32 $0x40;
	v0 =	vadd.f32 $1.000000000e+00, v3  }
0x34: {  	v10 =	vld [tilespmem:s29+$0x9600];
	v3 =	vmul.f32 v2, v5;
	v5 =	vmul.f32 v1, v4  }
0x35: {  	v11 =	vld [tilespmem:s29+$0xAE80];
	v9 =	vshra.s32 v0, $0x1;
	v0 =	vmul.f32 $5.000000000e-01, v0  }
0x36: {  	v3 =	vsub.f32 $1.500000000e+00, v3;
	v9 =	vsub.s32 $0x5F3759DF, v9;
	v5 =	vmul.f32 v5, v1  }
0x37: {  	v6 =	vadd.f32 v8, v6;
	v8 =	vmul.f32 v9, v0  }
0x38: {  	v2 =	vmul.f32 v2, v3;
	v3 =	vsub.f32 $1.500000000e+00, v5  }
0x39: {  	v5 =	vadd.f32 $1.000000000e+00, v6;
	v6 =	vmul.f32 v9, v8  }
0x3a: {  	v10 =	vadd.f32 v11, v10;
	v8 =	vmul.f32 v2, v7;
	v3 =	vmul.f32 v3, v1  }
0x3b: {  	v12 =	vshra.s32 v5, $0x1;
	v1 =	vmul.f32 $5.000000000e-01, v5;
	v5 =	vsub.f32 $1.500000000e+00, v6  }
0x3c: {  	s31 =	simm.s32 $0x50;
	v15 =	vsub.s32 $0x5F3759DF, v12;
	v6 =	vmul.f32 v8, v2;
	v4 =	vmul.f32 v3, v4  }
0x3d: {  	v13 =	vld [tilespmem:s31+$0xAE80];
	v11 =	vmul.f32 v15, v1;
	v5 =	vmul.f32 v9, v5  }
0x3e: {  	v8 =	vld [tilespmem:s31+$0x9600];
	v12 =	vadd.f32 $1.000000000e+00, v10;
	v6 =	vsub.f32 $1.500000000e+00, v6;
	v9 =	vmul.f32 v4, v3  }
0x3f: {  	v11 =	vmul.f32 v15, v11;
	v14 =	vmul.f32 v5, v0  }
0x40: {  	v4 =	vmul.f32 v6, v2;
	v2 =	vmul.f32 $5.000000000e-01, v12  }
0x41: {  	v6 =	vld [tilespmem:s0+$0xC700];
	v10 =	vsub.f32 $1.500000000e+00, v9;
	v9 =	vshra.s32 v12, $0x1;
	v16 =	vsub.f32 $1.500000000e+00, v11  }
0x42: {  	s1 =	simm.s32 $0x60;
	v11 =	vmul.f32 v14, v5;
	v9 =	vsub.s32 $0x5F3759DF, v9;
	v12 =	vmul.f32 v4, v7  }
0x43: {  	s20 =	simm.s32 $0x1C0;
	v13 =	vadd.f32 v13, v8;
	v7 =	vld [tilespmem:s1+$0x9600];
	v14 =	vmul.f32 v9, v2;
	v8 =	vmul.f32 v15, v16  }
.LBB2_2:
0x44: {  	p1 =	sne.s32 s20, $0x61C0;
	v15 =	vld [tilespmem:s1+$0xAE80];
	v11 =	vsub.f32 $1.500000000e+00, v11;
	v12 =	vmul.f32 v12, v4;
	v16 =	vmul.f32 v10, v3;
	v3 =	vmovc v4;
	v17 =	vmovc v2;
	s21 =	smov.u32 s20;
	s20 =	sadd.s32 $0x40, s20  }
.Ltmp0:
0x45: {  	v18 =	vmovc v9;
	s22 =	smov.u32 s31;
	s31 =	smov.u32 s1;
	v2 =	vadd.f32 $1.000000000e+00, v13;
	v13 =	vmul.f32 v9, v14;
	v14 =	vmul.f32 v8, v1;
	(pc) =	sbr.rel @p1 .LBB2_2-.Ltmp0, $4  }
0x46: {  	v4 =	vmul.f32 v11, v5;
	v10 =	vsub.f32 $1.500000000e+00, v12;
	[tilespmem:s0+$0xDF80] =	vst v16;
	v16 =	vmul.f32 v16, v6;
	v6 =	vld [tilespmem:s28+$0xC700];
	v5 =	vmovc v8  }
0x47: {  	v8 =	vshra.s32 v2, $0x1;
	v2 =	vmul.f32 $5.000000000e-01, v2;
	v19 =	vsub.f32 $1.500000000e+00, v13  }
0x48: {  	s1 =	sshra.s32 s21, $0x2;
	v11 =	vmul.f32 v14, v5;
	v9 =	vsub.s32 $0x5F3759DF, v8;
	v12 =	vmul.f32 v4, v0;
	[tilespmem:s0+$0xF800] =	vst v16;
	v0 =	vmovc v1;
	s0 =	smov.u32 s28;
	s28 =	smov.u32 s30  }
0x49: {  	v1 =	vmovc v17;
	s30 =	smov.u32 s26;
	s26 =	smov.u32 s29;
	s29 =	smov.u32 s22;
	v13 =	vadd.f32 v15, v7;
	v7 =	vld [tilespmem:s1+$0x9600];
	v14 =	vmul.f32 v9, v2;
	v8 =	vmul.f32 v18, v19  }
0x4a: {  	v15 =	vld [tilespmem:s1+$0xAE80];
	_ =	sdelay $0x1  }
0x4b: {  	v11 =	vsub.f32 $1.500000000e+00, v11;
	v12 =	vmul.f32 v12, v4;
	v3 =	vmul.f32 v10, v3  }
0x4c: {  	v26 =	vadd.f32 $1.000000000e+00, v13;
	v27 =	vmul.f32 v9, v14;
	v28 =	vmul.f32 v8, v1  }
0x4d: {  	v5 =	vmul.f32 v11, v5;
	v29 =	vsub.f32 $1.500000000e+00, v12;
	v6 =	vmul.f32 v3, v6  }
0x4e: {  	v30 =	vshra.s32 v26, $0x1;
	v10 =	vmul.f32 $5.000000000e-01, v26;
	v7 =	vadd.f32 v15, v7  }
0x4f: {  	v13 =	vsub.f32 $1.500000000e+00, v27;
	v14 =	vmul.f32 v28, v8;
	v12 =	vsub.s32 $0x5F3759DF, v30  }
0x50: {  	v34 =	vld [tilespmem:s28+$0xC700];
	v0 =	vmul.f32 v5, v0;
	v37 =	vmul.f32 v29, v4;
	v7 =	vadd.f32 $1.000000000e+00, v7  }
0x51: {  	v31 =	vmul.f32 v12, v10;
	v32 =	vmul.f32 v9, v13  }
0x52: {  	v33 =	vsub.f32 $1.500000000e+00, v14;
	v16 =	vshra.s32 v7, $0x1;
	v7 =	vmul.f32 $5.000000000e-01, v7  }
0x53: {  	v0 =	vmul.f32 v0, v5;
	v15 =	vmul.f32 v12, v31;
	v16 =	vsub.s32 $0x5F3759DF, v16  }
0x54: {  	[tilespmem:s0+$0xDF80] =	vst v3;
	v17 =	vmul.f32 v32, v2;
	v36 =	vmul.f32 v16, v7  }
0x55: {  	[tilespmem:s0+$0xF800] =	vst v6;
	v14 =	vmul.f32 v37, v34;
	v35 =	vmul.f32 v33, v8;
	v38 =	vsub.f32 $1.500000000e+00, v15  }
0x56: {  	v40 =	vld [tilespmem:s30+$0xC700];
	v0 =	vsub.f32 $1.500000000e+00, v0;
	v39 =	vmul.f32 v17, v32;
	v8 =	vmul.f32 v16, v36  }
0x57: {  	v41 =	vmul.f32 v35, v1;
	v6 =	vmul.f32 v12, v38  }
0x58: {  	v0 =	vmul.f32 v0, v5;
	v11 =	vsub.f32 $1.500000000e+00, v39;
	v8 =	vsub.f32 $1.500000000e+00, v8  }
0x59: {  	v1 =	vmul.f32 v41, v35;
	v42 =	vmul.f32 v6, v10  }
0x5a: {  	[tilespmem:s28+$0xDF80] =	vst v37;
	v43 =	vmul.f32 v11, v32;
	v8 =	vmul.f32 v16, v8  }
0x5b: {  	[tilespmem:s28+$0xF800] =	vst v14;
	v44 =	vmul.f32 v0, v40;
	v5 =	vmul.f32 v42, v6  }
0x5c: {  	v45 =	vld [tilespmem:s26+$0xC700];
	v46 =	vmul.f32 v43, v2;
	v47 =	vmul.f32 v8, v7  }
0x5d: {  	[tilespmem:s30+$0xDF80] =	vst v0;
	v1 =	vsub.f32 $1.500000000e+00, v1;
	v48 =	vsub.f32 $1.500000000e+00, v5  }
0x5e: {  	[tilespmem:s30+$0xF800] =	vst v44;
	v2 =	vmul.f32 v46, v43;
	v49 =	vmul.f32 v47, v8  }
0x5f: {  	v1 =	vmul.f32 v1, v35;
	v50 =	vld [tilespmem:s29+$0xC700];
	v0 =	vmul.f32 v48, v6  }
0x60: {  	v2 =	vsub.f32 $1.500000000e+00, v2;
	v5 =	vsub.f32 $1.500000000e+00, v49  }
0x61: {  	v51 =	vmul.f32 v1, v45;
	v52 =	vmul.f32 v0, v10  }
0x62: {  	v53 =	vmul.f32 v2, v43;
	v54 =	vmul.f32 v5, v8  }
0x63: {  	[tilespmem:s26+$0xDF80] =	vst v1;
	v55 =	vmul.f32 v52, v0  }
0x64: {  	[tilespmem:s26+$0xF800] =	vst v51;
	v3 =	vmul.f32 v53, v50;
	v57 =	vmul.f32 v54, v7  }
0x65: {  	v56 =	vld [tilespmem:s31+$0xC700];
	[tilespmem:s29+$0xDF80] =	vst v53  }
0x66: {  	v58 =	vsub.f32 $1.500000000e+00, v55;
	[tilespmem:s29+$0xF800] =	vst v3;
	v59 =	vmul.f32 v57, v54  }
0x67: {  	v60 =	vld [tilespmem:s1+$0xC700]  }
0x68: {  	v0 =	vmul.f32 v58, v0;
	v61 =	vsub.f32 $1.500000000e+00, v59;
	_ =	sdelay $0x1  }
0x69: {  	v62 =	vmul.f32 v0, v56;
	v1 =	vmul.f32 v61, v54  }
0x6a: {  	[tilespmem:s31+$0xDF80] =	vst v0  }
0x6b: {  	[tilespmem:s31+$0xF800] =	vst v62;
	v63 =	vmul.f32 v1, v60  }
0x6c: {  	[tilespmem:s1+$0xDF80] =	vst v1  }
0x6d: {  	[tilespmem:s1+$0xF800] =	vst v63  }
0x6e: {  	[spmem:s12] =	stream.linear.scatter [tilespmem:s18], [sflag:$0x1], $0x1880, $0x38;
	[tilespmem:$0x14180] =	vst v63  }
0x6f: {  	_ =	swait.ge [sflag:s19], $0x1880  }
0x70: {  	[sflag:s19] =	ssyncset.done $0x0  }
0x71: {  	s0 =	simm.s32 @!p0 $0x0;
	s1 =	simm.s32 @!p0 $0xDF80;
	[sflag:s19] =	ssyncadd.s32 $0xFFFFE780  }
0x72: {  	[hbm4b:s13+s0] =	stream.linear.scatter @!p0 [tilespmem:s1], [sflag:$0x1], $0x1880, $0x38;
	[tilespmem:$0x14180] =	vst v63  }
0x73: {  	s0 =	sadd.s32 $0x1, s16  }
0x74: {  	s1 =	simm.s32 @!p0 $0x1;
	p2 =	seq.s32 s0, $0x0  }
.Ltmp1:
0x75: {  	_ =	swait.ge @!p0 [sflag:s1], $0x1880;
	(pc) =	sbr.rel @p2 .LBB2_6-.Ltmp1, $4  }
0x76: {  	[sflag:s1] =	ssyncset.done @!p0 $0x0  }
0x77: {  	[sflag:s1] =	ssyncadd.s32 @!p0 $0xFFFFE780  }
0x78: {  	[bflag:$0x0] =	sbarrier.arrive $0xFFFF  }
0x79: {  	s20 =	sshrl.u32 s17, $0x3;
	p1 =	por $0x0, $0x0  }
0x7a: {  	s1 =	sadd.s32 s5, s20  }
0x7b: {  	[tilespmem:s4], [sflag:$0x1] =	stream.linear.gather [hbm4b:s1+s4], $0x3200, $0x38;
	[tilespmem:$0x14180] =	vst v63  }
0x7c: {  	_ =	swait.ge [sflag:s19], $0x3200  }
0x7d: {  	[sflag:s19] =	ssyncset.done $0x0  }
0x7e: {  	s31 =	sadd.s32 s6, s20;
	[sflag:s19] =	ssyncadd.s32 $0xFFFFCE00  }
0x7f: {  	[tilespmem:s23], [sflag:$0x1] =	stream.linear.gather [hbm4b:s31+s4], $0x3200, $0x38;
	[tilespmem:$0x14180] =	vst v63  }
0x80: {  	_ =	swait.ge [sflag:s19], $0x3200  }
0x81: {  	[sflag:s19] =	ssyncset.done $0x0  }
0x82: {  	s0 =	sadd.s32 $0x1, s0;
	[sflag:s19] =	ssyncadd.s32 $0xFFFFCE00  }
0x83: {  	[tilespmem:s24], [sflag:$0x1] =	stream.indirect.gather [spmem:s3], $0x1, s4, s23, $0xb8;
	[tilespmem:$0x14180] =	vst v63  }
0x84: {  	p2 =	seq.s32 s0, $0x0;
	_ =	swait.ge [sflag:s19], $0x3200  }
.Ltmp2:
0x85: {  	[sflag:s19] =	ssyncset.done $0x0;
	(pc) =	sbr.rel @p2 .LBB2_6-.Ltmp2, $4  }
0x86: {  	[sflag:s19] =	ssyncadd.s32 $0xFFFFCE00  }
0x87: {  	[spmem:s2] =	stream.indirect.scatter.add.f32 [tilespmem:s24], [sflag:$0x1], $0x1, s23, s23, $0xb8;
	[tilespmem:$0x14180] =	vst v63  }
0x88: {  	s1 =	sadd.s32 $0x64000, s17;
	_ =	swait.ge [sflag:s19], $0x3200  }
0x89: {  	p1 =	por $0x1, $0x1;
	s20 =	sshrl.u32 s1, $0x3;
	[sflag:s19] =	ssyncset.done $0x0  }
.LBB2_5:
0x8a: {  	s0 =	sadd.s32 $0x1, s0;
	s21 =	sadd.s32 s5, s20;
	[sflag:s19] =	ssyncadd.s32 $0xFFFFCE00  }
0x8b: {  	[tilespmem:s4], [sflag:$0x1] =	stream.linear.gather [hbm4b:s21+s4], $0x3200, $0x38;
	[tilespmem:$0x14180] =	vst v63  }
0x8c: {  	p2 =	seq.s32 s0, $0x0;
	_ =	swait.ge [sflag:s19], $0x3200  }
0x8d: {  	[sflag:s19] =	ssyncset.done $0x0  }
0x8e: {  	s20 =	sadd.s32 s6, s20;
	[sflag:s19] =	ssyncadd.s32 $0xFFFFCE00  }
0x8f: {  	[tilespmem:s23], [sflag:$0x1] =	stream.linear.gather [hbm4b:s20+s4], $0x3200, $0x38;
	[tilespmem:$0x14180] =	vst v63  }
0x90: {  	_ =	swait.ge [sflag:s19], $0x3200  }
0x91: {  	[sflag:s19] =	ssyncset.done $0x0  }
0x92: {  	[sflag:s19] =	ssyncadd.s32 $0xFFFFCE00  }
0x93: {  	[tilespmem:s24], [sflag:$0x1] =	stream.indirect.gather [spmem:s3], $0x1, s4, s23, $0xb8;
	[tilespmem:$0x14180] =	vst v63  }
0x94: {  	_ =	swait.ge [sflag:s19], $0x3200  }
.Ltmp3:
0x95: {  	[sflag:s19] =	ssyncset.done $0x0;
	(pc) =	sbr.rel @!p2 .LBB2_5-.Ltmp3, $4  }
0x96: {  	[sflag:s19] =	ssyncadd.s32 $0xFFFFCE00  }
0x97: {  	[spmem:s2] =	stream.indirect.scatter.add.f32 [tilespmem:s24], [sflag:$0x1], $0x1, s23, s23, $0xb8;
	[tilespmem:$0x14180] =	vst v63  }
0x98: {  	s1 =	sadd.s32 $0x64000, s1;
	_ =	swait.ge [sflag:s19], $0x3200  }
0x99: {  	s20 =	sshrl.u32 s1, $0x3;
	[sflag:s19] =	ssyncset.done $0x0  }
.LBB2_6:
0x9a: {  	s0 =	sadd.s32 s5, s20;
	[sflag:s19] =	ssyncadd.s32 @p1 $0xFFFFCE00  }
0x9b: {  	[tilespmem:s4], [sflag:$0x1] =	stream.linear.gather [hbm4b:s0+s4], $0x3200, $0x38;
	[tilespmem:$0x14180] =	vst v63  }
0x9c: {  	_ =	swait.ge [sflag:s19], $0x3200  }
0x9d: {  	[sflag:s19] =	ssyncset.done $0x0  }
0x9e: {  	s31 =	sadd.s32 s6, s20;
	[sflag:s19] =	ssyncadd.s32 $0xFFFFCE00  }
0x9f: {  	[tilespmem:s23], [sflag:$0x1] =	stream.linear.gather [hbm4b:s31+s4], $0x3200, $0x38;
	[tilespmem:$0x14180] =	vst v63  }
0xa0: {  	_ =	swait.ge [sflag:s19], $0x3200  }
0xa1: {  	[sflag:s19] =	ssyncset.done $0x0  }
0xa2: {  	[sflag:s19] =	ssyncadd.s32 $0xFFFFCE00  }
0xa3: {  	[tilespmem:s24], [sflag:$0x1] =	stream.indirect.gather [spmem:s3], $0x1, s4, s23, $0xb8;
	[tilespmem:$0x14180] =	vst v63  }
0xa4: {  	_ =	swait.ge [sflag:s19], $0x3200  }
0xa5: {  	[sflag:s19] =	ssyncset.done $0x0  }
0xa6: {  	[sflag:s19] =	ssyncadd.s32 $0xFFFFCE00  }
0xa7: {  	[spmem:s2] =	stream.indirect.scatter.add.f32 [tilespmem:s24], [sflag:$0x1], $0x1, s23, s23, $0xb8;
	[tilespmem:$0x14180] =	vst v63  }
0xa8: {  	_ =	swait.ge [sflag:s19], $0x3200  }
0xa9: {  	[sflag:s19] =	ssyncset.done $0x0  }
0xaa: {  	[sflag:s19] =	ssyncadd.s32 $0xFFFFCE00  }
0xab: {  	[bflag:$0x0] =	sbarrier.arrive $0xFFFF  }
0xac: {  	[tilespmem:s18], [sflag:$0x1] =	stream.linear.gather [spmem:s8], $0x1880, $0x38;
	[tilespmem:$0x14180] =	vst v63  }
0xad: {  	s25 =	sadd.s32 $0x1, s25;
	_ =	swait.ge [sflag:s19], $0x1880  }
0xae: {  	p1 =	sne.s32 s25, s15;
	[sflag:s19] =	ssyncset.done $0x0  }
.Ltmp4:
0xaf: {  	[sflag:s19] =	ssyncadd.s32 $0xFFFFE780;
	(pc) =	sbr.rel @p1 .LBB2_1-.Ltmp4, $4  }
0xb0: {  	[hbm4b:s14+s4] =	stream.linear.scatter [tilespmem:s18], [sflag:$0x1], $0x1880, $0x38;
	[tilespmem:$0x14180] =	vst v63  }
0xb1: {  	_ =	swait.ge [sflag:s19], $0x1880  }
0xb2: {  	[sflag:s19] =	ssyncset.done $0x0  }
0xb3: {  	[sflag:s19] =	ssyncadd.s32 $0xFFFFE780  }
0xb4: {  	_ =	sfence.sel $0x180000  }
0xb5: {  	[bflag:$0x0] =	sbarrier.arrive $0xFFFF  }
0xb6: {  	_ =	strace $0x9000004A  }
0xb7: {  	s0 =	stileid.u32;
	[bflag:$0x2] =	sbarrier.arrive $0xFFFF  }
0xb8: {  	p0 =	sne.s32 s0, $0x0;
	s0 =	rddreg [dreg:$0x3]  }
0xb9: {  	s0 =	sadd.s32 @!p0 $0x100000, s0  }
0xba: {  	[sflag:s0] =	ssyncadd.tile.s32 @!p0 $0x1;
	_ =	shalt  }
.Lfunc_end2:
_tile_overlayer_lowered:
.L_overlay_start_2:
0xbb: {  	(tag) =	ssettag $0x2  }
0xbc: {  	s0 =	rddreg [dreg:$0x0];
	s2 =	stileid.u32  }
0xbd: {  	s1 =	rddreg [dreg:$0x1];
	p0 =	sne.s32 s2, $0x0  }
0xbe: {  	s3 =	rddreg [dreg:$0x2];
	[bflag:$0x3] =	sbarrier.arrive $0xFFFF;
	s2 =	simm.s32 @!p0 $0x1C01  }
0xbf: {  	[timem:s3], [sflag:s2] =	dma.local @!p0 [hbm:s0], s1  }
0xc0: {  	s0 =	simm.s32 @!p0 $0x1  }
0xc1: {  	_ =	swait.ge @!p0 [sflag:s0], s1  }
0xc2: {  	s1 =	ssub.s32 @!p0 $0x0, s1;
	[sflag:s0] =	ssyncset.done @!p0 $0x0  }
0xc3: {  	[sflag:s0] =	ssyncadd.s32 @!p0 s1  }
0xc4: {  	[bflag:$0x3] =	sbarrier.arrive $0xFFFF  }
0xc5: {  	_ =	shalt  }

</sc_bundles>
